<compile_context>
chip_gen: v7x
topology: tpu7x:2x2x1
jax: 0.10.2.dev20260603
libtpu: 0.0.44.dev20260713+nightly
codegen_flags: <defaults>
</compile_context>

<pallas_src>
import functools

import jax
import jax.numpy as jnp
from jax import lax
from jax.experimental import pallas as pl
from jax.experimental.pallas import tpu as pltpu
from jax.experimental.pallas import tpu_sc as plsc

_NC = 2
_NS = 16
_NW = _NC * _NS

_CHUNK = 100
_DEGW = 16


def _sc_edge_pass(x, src3, dst3, n_pad):
    n, d = x.shape
    nch = src3.shape[1]
    slab = n_pad // _NS
    assert slab % 8 == 0

    mesh = plsc.VectorSubcoreMesh(core_axis_name="c", subcore_axis_name="s")

    @functools.partial(
        pl.kernel,
        out_type=(jax.ShapeDtypeStruct((_NC, n_pad, d), jnp.float32),
                  jax.ShapeDtypeStruct((_NC, n_pad, _DEGW), jnp.float32)),
        mesh=mesh,
        scratch_types=[
            pltpu.VMEM((nch, _CHUNK), jnp.int32),
            pltpu.VMEM((2, _CHUNK), jnp.int32),
            pltpu.VMEM((2, _CHUNK), jnp.int32),
            pltpu.VMEM((_CHUNK, d), jnp.float32),
            pltpu.VMEM((_CHUNK, d), jnp.float32),
            pltpu.VMEM((_CHUNK, _DEGW), jnp.float32),
            pltpu.VMEM_SHARED((n_pad, d), jnp.float32),
            pltpu.VMEM_SHARED((n_pad, _DEGW), jnp.float32),
            pltpu.SemaphoreType.DMA,
            pltpu.SemaphoreType.DMA,
            pltpu.SemaphoreType.DMA,
            pltpu.SemaphoreType.DMA,
            pltpu.SemaphoreType.DMA,
            pltpu.SemaphoreType.DMA,
            pltpu.SemaphoreType.DMA,
            pltpu.SemaphoreType.DMA,
            pltpu.SemaphoreType.DMA,
        ],
        compiler_params=pltpu.CompilerParams(use_tc_tiling_on_sc=False),
    )
    def sc_kernel(x_hbm, src_hbm, dst_hbm, agg_hbm, deg_hbm,
                  dst_all, srcv0, srcv1, rows0, rows1, ones_v, agg_sh, deg_sh,
                  gsem0, gsem1, ssem0, ssem1, dsem0, dsem1, isem0, isem1,
                  zsem):
        c = lax.axis_index("c")
        s = lax.axis_index("s")
        wid = c * _NS + s

        srcv = (srcv0, srcv1)
        rows = (rows0, rows1)
        gsem = (gsem0, gsem1)
        ssem = (ssem0, ssem1)
        dsem = (dsem0, dsem1)
        isem = (isem0, isem1)

        row0 = pl.multiple_of(s * slab, 8)

        def zero_buf(i, carry):
            for j in range(d // 16):
                rows0[i, pl.ds(j * 16, 16)] = jnp.zeros((16,), jnp.float32)
            for j in range(_DEGW // 16):
                ones_v[i, pl.ds(j * 16, 16)] = jnp.zeros((16,), jnp.float32)
            return carry

        lax.fori_loop(0, _CHUNK, zero_buf, 0)

        nfull, rem = divmod(slab, _CHUNK)
        zcopies = []
        for k in range(nfull):
            zcopies.append((rows0, agg_sh, k * _CHUNK, _CHUNK))
            zcopies.append((ones_v, deg_sh, k * _CHUNK, _CHUNK))
        if rem:
            zcopies.append((rows0, agg_sh, nfull * _CHUNK, rem))
            zcopies.append((ones_v, deg_sh, nfull * _CHUNK, rem))
        for buf, sh, off, cnt in zcopies:
            pltpu.async_copy(buf.at[pl.ds(0, cnt)],
                             sh.at[pl.ds(row0 + off, cnt)], zsem)
        for buf, sh, off, cnt in zcopies:
            pltpu.make_async_copy(buf.at[pl.ds(0, cnt)],
                                  sh.at[pl.ds(row0 + off, cnt)], zsem).wait()

        def fill_ones(i, carry):
            for j in range(_DEGW // 16):
                ones_v[i, pl.ds(j * 16, 16)] = jnp.full((16,), 1.0,
                                                        jnp.float32)
            return carry

        lax.fori_loop(0, _CHUNK, fill_ones, 0)

        pltpu.sync_copy(dst_hbm.at[wid], dst_all)
        pltpu.sync_copy(src_hbm.at[wid, pl.ds(0, 2)], srcv0)
        plsc.subcore_barrier()

        def start_gather(p, b, slot):
            pltpu.async_copy(x_hbm.at[srcv[b].at[slot]], rows[p], gsem[p])

        def wait_gather(p):
            pltpu.make_async_copy(
                x_hbm.at[srcv[0].at[0]], rows[p], gsem[p]).wait()

        def start_scatter(ch, p):
            pltpu.async_copy(rows[p], agg_sh.at[dst_all.at[ch]], ssem[p],
                             add=True)
            pltpu.async_copy(ones_v, deg_sh.at[dst_all.at[ch]], dsem[p],
                             add=True)

        def wait_scatter(p):
            pltpu.make_async_copy(
                rows[p], agg_sh.at[dst_all.at[0]], ssem[p]).wait()
            pltpu.make_async_copy(
                ones_v, deg_sh.at[dst_all.at[0]], dsem[p]).wait()

        def start_idx(first_ch, b):
            pltpu.async_copy(src_hbm.at[wid, pl.ds(first_ch, 2)], srcv[b],
                             isem[b])

        def wait_idx(b):
            pltpu.make_async_copy(
                src_hbm.at[wid, pl.ds(0, 2)], srcv[b], isem[b]).wait()

        def step(ch, p, gref, widx, fetch, first=False):
            wait_gather(p)
            if not first:
                wait_scatter(1 - p)
            if widx is not None:
                wait_idx(widx)
            if gref is not None:
                start_gather(1 - p, *gref)
            start_scatter(ch, p)
            if fetch is not None:
                start_idx(*fetch)

        assert nch % 4 == 0
        start_gather(0, 0, 0)
        start_idx(2, 1)
        step(0, 0, (0, 1), None, None, first=True)

        def quad(t, carry):
            ca = 4 * t + 1
            step(ca, 1, (1, 0), 1, (ca + 3, 0))
            step(ca + 1, 0, (1, 1), None, None)
            step(ca + 2, 1, (0, 0), 0, (ca + 5, 1))
            step(ca + 3, 0, (0, 1), None, None)
            return carry

        lax.fori_loop(0, (nch - 4) // 4, quad, 0)
        step(nch - 3, 1, (1, 0), 1, None)
        step(nch - 2, 0, (1, 1), None, None)
        step(nch - 1, 1, None, None, None)
        wait_scatter(1)
        plsc.subcore_barrier()

        pltpu.async_copy(agg_sh.at[pl.ds(row0, slab)],
                        agg_hbm.at[c, pl.ds(row0, slab)], zsem)
        pltpu.async_copy(deg_sh.at[pl.ds(row0, slab)],
                        deg_hbm.at[c, pl.ds(row0, slab)], zsem)
        pltpu.make_async_copy(agg_sh.at[pl.ds(row0, slab)],
                              agg_hbm.at[c, pl.ds(row0, slab)], zsem).wait()
        pltpu.make_async_copy(deg_sh.at[pl.ds(row0, slab)],
                              deg_hbm.at[c, pl.ds(row0, slab)], zsem).wait()

    return sc_kernel(x, src3, dst3)


def _tc_post(x, w_self, w_neigh, b, agg, deg):
    n, d = x.shape
    blk = 2000

    def body(x_ref, ws_ref, wn_ref, b_ref, a0_ref, a1_ref, d0_ref, d1_ref,
             o_ref):
        degs = jnp.maximum((d0_ref[0] + d1_ref[0])[:, 0:1], 1.0)
        h = (a0_ref[0] + a1_ref[0]) / degs
        o_ref[...] = (
            jnp.dot(x_ref[...], ws_ref[...], preferred_element_type=jnp.float32)
            + jnp.dot(h, wn_ref[...], preferred_element_type=jnp.float32)
            + b_ref[...]
        )

    return pl.pallas_call(
        body,
        grid=(n // blk,),
        in_specs=[
            pl.BlockSpec((blk, d), lambda i: (i, 0)),
            pl.BlockSpec((d, d), lambda i: (0, 0)),
            pl.BlockSpec((d, d), lambda i: (0, 0)),
            pl.BlockSpec((1, d), lambda i: (0, 0)),
            pl.BlockSpec((1, blk, d), lambda i: (0, i, 0)),
            pl.BlockSpec((1, blk, d), lambda i: (1, i, 0)),
            pl.BlockSpec((1, blk, _DEGW), lambda i: (0, i, 0)),
            pl.BlockSpec((1, blk, _DEGW), lambda i: (1, i, 0)),
        ],
        out_specs=pl.BlockSpec((blk, d), lambda i: (i, 0)),
        out_shape=jax.ShapeDtypeStruct((n, d), jnp.float32),
    )(x, w_self, w_neigh, b, agg, agg, deg, deg)


def kernel(x, edge_index, W_self, W_neigh, b):
    n, d = x.shape
    f = W_neigh.shape[1]

    e = edge_index.shape[1]
    epw = e // _NW
    nch = epw // _CHUNK
    src3 = edge_index[0].astype(jnp.int32).reshape(_NW, nch, _CHUNK)
    dst3 = edge_index[1].astype(jnp.int32).reshape(_NW, nch, _CHUNK)

    n_pad = ((n + _NS * 8 - 1) // (_NS * 8)) * (_NS * 8)
    agg, deg = _sc_edge_pass(x, src3, dst3, n_pad)
    return _tc_post(x, W_self, W_neigh, b.reshape(1, f), agg, deg)

# --- scband reference (transcript-rebuilt; emitter-appended) ---
"""Pipeline reference for scband-graph-sage-34694745817357 (READ-ONLY COPY).

The authoritative reference and input builder live on the scoring server;
editing this copy changes nothing except your own understanding.
"""

import jax, jax.numpy as jnp
import numpy as np

N = 10000
E = 320000
D = 128
F = 128

def setup_inputs(seed: int = 0) -> dict:
    key = jax.random.key(seed)
    k_x, k_ei, k_ws, k_wn, k_b = jax.random.split(key, 5)
    x = jax.random.normal(k_x, (N, D), dtype=jnp.float32)
    edge_index = jax.random.randint(k_ei, (2, E), 0, N, dtype=jnp.int64)
    # Learned parameters (DGL-style SAGEConv with mean aggregator: fc_self + fc_neigh)
    scale = 1.0 / np.sqrt(D)
    W_self = jax.random.normal(k_ws, (D, F), dtype=jnp.float32) * scale
    W_neigh = jax.random.normal(k_wn, (D, F), dtype=jnp.float32) * scale
    b = jnp.zeros((F,), dtype=jnp.float32)
    return {"x": x, "edge_index": edge_index, "W_self": W_self, "W_neigh": W_neigh, "b": b}

def reference(x, edge_index, W_self, W_neigh, b):
    # GraphSAGE with mean aggregator:
    #   h_N(i) = mean_{j in N(i)} h_j
    #   h_i'   = W_self @ h_i + W_neigh @ h_N(i) + b
    src = edge_index[0]
    dst = edge_index[1]
    msgs = jnp.take(x, src, axis=0)                      # gather [E, D]
    agg = jax.ops.segment_sum(msgs, dst, num_segments=N)  # scatter-add [N, D]
    deg = jax.ops.segment_sum(jnp.ones((E,), dtype=x.dtype), dst, num_segments=N)
    deg = jnp.clip(deg, 1.0, None)
    h_neigh = agg / deg[:, None]                          # mean aggregation
    out = x @ W_self + h_neigh @ W_neigh + b
    return out

if __name__ == "__main__":
    import jax
    _d = setup_inputs()
    print(jax.jit(kernel)(*tuple(_d.values())))

</pallas_src>

<mosaic_0001>
#map = affine_map<(d0, d1) -> (0, 0)>
#map1 = affine_map<(d0, d1) -> (0, 0, 0)>
module attributes {stable_mosaic.version = 14 : i64} {
  func.func @sc_kernel(%arg0: i32, %arg1: i32, %arg2: memref<10000x128xf32, #tpu.memory_space<hbm>>, %arg3: memref<32x100x100xi32, #tpu.memory_space<hbm>>, %arg4: memref<32x100x100xi32, #tpu.memory_space<hbm>>, %arg5: memref<2x10112x128xf32, #tpu.memory_space<hbm>>, %arg6: memref<2x10112x16xf32, #tpu.memory_space<hbm>>, %arg7: memref<100x100xi32, #tpu.memory_space<vmem>>, %arg8: memref<2x100xi32, #tpu.memory_space<vmem>>, %arg9: memref<2x100xi32, #tpu.memory_space<vmem>>, %arg10: memref<100x128xf32, #tpu.memory_space<vmem>>, %arg11: memref<100x128xf32, #tpu.memory_space<vmem>>, %arg12: memref<100x16xf32, #tpu.memory_space<vmem>>, %arg13: memref<10112x128xf32, #tpu.memory_space<vmem_shared>>, %arg14: memref<10112x16xf32, #tpu.memory_space<vmem_shared>>, %arg15: memref<!tpu.dma_semaphore, #tpu.memory_space<semaphore_mem>>, %arg16: memref<!tpu.dma_semaphore, #tpu.memory_space<semaphore_mem>>, %arg17: memref<!tpu.dma_semaphore, #tpu.memory_space<semaphore_mem>>, %arg18: memref<!tpu.dma_semaphore, #tpu.memory_space<semaphore_mem>>, %arg19: memref<!tpu.dma_semaphore, #tpu.memory_space<semaphore_mem>>, %arg20: memref<!tpu.dma_semaphore, #tpu.memory_space<semaphore_mem>>, %arg21: memref<!tpu.dma_semaphore, #tpu.memory_space<semaphore_mem>>, %arg22: memref<!tpu.dma_semaphore, #tpu.memory_space<semaphore_mem>>, %arg23: memref<!tpu.dma_semaphore, #tpu.memory_space<semaphore_mem>>) attributes {dimension_semantics = [#tpu.dimension_semantics<core_parallel>, #tpu.dimension_semantics<subcore_parallel>], iteration_bounds = array<i64: 2, 16>, scalar_prefetch = 0 : i64, scratch_operands = 17 : i64, tpu.core_type = #tpu.core_type<sc_vector_subcore>, window_params = [{transform_indices = #map}, {transform_indices = #map1}, {transform_indices = #map1}, {transform_indices = #map1}, {transform_indices = #map1}]} {
    %mul3A = arith.constant 16 : i32
    %mul3A_0 = arith.muli %arg0, %mul3A : i32
    %add3A = arith.addi %mul3A_0, %arg1 : i32
    %mul3A_1 = arith.constant 632 : i32
    %mul3A_2 = arith.muli %arg1, %mul3A_1 : i32
    %multiple_of3A = tpu.assume_multiple %mul3A_2, 8 : i32
    %scan3A = arith.constant 0 : i32
    %scan3A_3 = arith.constant 0 : i32
    %scan3A_4 = arith.constant 100 : i32
    %scan3A_5 = arith.addi %scan3A_3, %scan3A_4 : i32
    %scan3A_6 = arith.constant 1 : i32
    scf.for %scan3A_559 = %scan3A_3 to %scan3A_5 step %scan3A_6  : i32 {
      %broadcast_in_dim3A = arith.constant 0.000000e+00 : f32
      %broadcast_in_dim3A_560 = vector.broadcast %broadcast_in_dim3A : f32 to vector<16xf32>
      %swap3A = arith.index_cast %scan3A_559 : i32 to index
      %swap3A_561 = arith.constant 0 : index
      %swap3A_562 = tpu.vector_load %arg10[%swap3A, %swap3A_561] {strides = array<i32>} : memref<100x128xf32, #tpu.memory_space<vmem>>, vector<1x16xf32>,
      %swap3A_563 = vector.shape_cast %swap3A_562 : vector<1x16xf32> to vector<16xf32>
      %swap3A_564 = vector.shape_cast %broadcast_in_dim3A_560 : vector<16xf32> to vector<1x16xf32>
      tpu.vector_store %arg10[%swap3A, %swap3A_561], %swap3A_564 {strides = array<i32>} : memref<100x128xf32, #tpu.memory_space<vmem>>, vector<1x16xf32>,
      %broadcast_in_dim3A_565 = arith.constant 0.000000e+00 : f32
      %broadcast_in_dim3A_566 = vector.broadcast %broadcast_in_dim3A_565 : f32 to vector<16xf32>
      %swap3A_567 = arith.index_cast %scan3A_559 : i32 to index
      %swap3A_568 = arith.constant 16 : index
      %swap3A_569 = tpu.vector_load %arg10[%swap3A_567, %swap3A_568] {strides = array<i32>} : memref<100x128xf32, #tpu.memory_space<vmem>>, vector<1x16xf32>,
      %swap3A_570 = vector.shape_cast %swap3A_569 : vector<1x16xf32> to vector<16xf32>
      %swap3A_571 = vector.shape_cast %broadcast_in_dim3A_566 : vector<16xf32> to vector<1x16xf32>
      tpu.vector_store %arg10[%swap3A_567, %swap3A_568], %swap3A_571 {strides = array<i32>} : memref<100x128xf32, #tpu.memory_space<vmem>>, vector<1x16xf32>,
      %broadcast_in_dim3A_572 = arith.constant 0.000000e+00 : f32
      %broadcast_in_dim3A_573 = vector.broadcast %broadcast_in_dim3A_572 : f32 to vector<16xf32>
      %swap3A_574 = arith.index_cast %scan3A_559 : i32 to index
      %swap3A_575 = arith.constant 32 : index
      %swap3A_576 = tpu.vector_load %arg10[%swap3A_574, %swap3A_575] {strides = array<i32>} : memref<100x128xf32, #tpu.memory_space<vmem>>, vector<1x16xf32>,
      %swap3A_577 = vector.shape_cast %swap3A_576 : vector<1x16xf32> to vector<16xf32>
      %swap3A_578 = vector.shape_cast %broadcast_in_dim3A_573 : vector<16xf32> to vector<1x16xf32>
      tpu.vector_store %arg10[%swap3A_574, %swap3A_575], %swap3A_578 {strides = array<i32>} : memref<100x128xf32, #tpu.memory_space<vmem>>, vector<1x16xf32>,
      %broadcast_in_dim3A_579 = arith.constant 0.000000e+00 : f32
      %broadcast_in_dim3A_580 = vector.broadcast %broadcast_in_dim3A_579 : f32 to vector<16xf32>
      %swap3A_581 = arith.index_cast %scan3A_559 : i32 to index
      %swap3A_582 = arith.constant 48 : index
      %swap3A_583 = tpu.vector_load %arg10[%swap3A_581, %swap3A_582] {strides = array<i32>} : memref<100x128xf32, #tpu.memory_space<vmem>>, vector<1x16xf32>,
      %swap3A_584 = vector.shape_cast %swap3A_583 : vector<1x16xf32> to vector<16xf32>
      %swap3A_585 = vector.shape_cast %broadcast_in_dim3A_580 : vector<16xf32> to vector<1x16xf32>
      tpu.vector_store %arg10[%swap3A_581, %swap3A_582], %swap3A_585 {strides = array<i32>} : memref<100x128xf32, #tpu.memory_space<vmem>>, vector<1x16xf32>,
      %broadcast_in_dim3A_586 = arith.constant 0.000000e+00 : f32
      %broadcast_in_dim3A_587 = vector.broadcast %broadcast_in_dim3A_586 : f32 to vector<16xf32>
      %swap3A_588 = arith.index_cast %scan3A_559 : i32 to index
      %swap3A_589 = arith.constant 64 : index
      %swap3A_590 = tpu.vector_load %arg10[%swap3A_588, %swap3A_589] {strides = array<i32>} : memref<100x128xf32, #tpu.memory_space<vmem>>, vector<1x16xf32>,
      %swap3A_591 = vector.shape_cast %swap3A_590 : vector<1x16xf32> to vector<16xf32>
      %swap3A_592 = vector.shape_cast %broadcast_in_dim3A_587 : vector<16xf32> to vector<1x16xf32>
      tpu.vector_store %arg10[%swap3A_588, %swap3A_589], %swap3A_592 {strides = array<i32>} : memref<100x128xf32, #tpu.memory_space<vmem>>, vector<1x16xf32>,
      %broadcast_in_dim3A_593 = arith.constant 0.000000e+00 : f32
      %broadcast_in_dim3A_594 = vector.broadcast %broadcast_in_dim3A_593 : f32 to vector<16xf32>
      %swap3A_595 = arith.index_cast %scan3A_559 : i32 to index
      %swap3A_596 = arith.constant 80 : index
      %swap3A_597 = tpu.vector_load %arg10[%swap3A_595, %swap3A_596] {strides = array<i32>} : memref<100x128xf32, #tpu.memory_space<vmem>>, vector<1x16xf32>,
      %swap3A_598 = vector.shape_cast %swap3A_597 : vector<1x16xf32> to vector<16xf32>
      %swap3A_599 = vector.shape_cast %broadcast_in_dim3A_594 : vector<16xf32> to vector<1x16xf32>
      tpu.vector_store %arg10[%swap3A_595, %swap3A_596], %swap3A_599 {strides = array<i32>} : memref<100x128xf32, #tpu.memory_space<vmem>>, vector<1x16xf32>,
      %broadcast_in_dim3A_600 = arith.constant 0.000000e+00 : f32
      %broadcast_in_dim3A_601 = vector.broadcast %broadcast_in_dim3A_600 : f32 to vector<16xf32>
      %swap3A_602 = arith.index_cast %scan3A_559 : i32 to index
      %swap3A_603 = arith.constant 96 : index
      %swap3A_604 = tpu.vector_load %arg10[%swap3A_602, %swap3A_603] {strides = array<i32>} : memref<100x128xf32, #tpu.memory_space<vmem>>, vector<1x16xf32>,
      %swap3A_605 = vector.shape_cast %swap3A_604 : vector<1x16xf32> to vector<16xf32>
      %swap3A_606 = vector.shape_cast %broadcast_in_dim3A_601 : vector<16xf32> to vector<1x16xf32>
      tpu.vector_store %arg10[%swap3A_602, %swap3A_603], %swap3A_606 {strides = array<i32>} : memref<100x128xf32, #tpu.memory_space<vmem>>, vector<1x16xf32>,
      %broadcast_in_dim3A_607 = arith.constant 0.000000e+00 : f32
      %broadcast_in_dim3A_608 = vector.broadcast %broadcast_in_dim3A_607 : f32 to vector<16xf32>
      %swap3A_609 = arith.index_cast %scan3A_559 : i32 to index
      %swap3A_610 = arith.constant 112 : index
      %swap3A_611 = tpu.vector_load %arg10[%swap3A_609, %swap3A_610] {strides = array<i32>} : memref<100x128xf32, #tpu.memory_space<vmem>>, vector<1x16xf32>,
      %swap3A_612 = vector.shape_cast %swap3A_611 : vector<1x16xf32> to vector<16xf32>
      %swap3A_613 = vector.shape_cast %broadcast_in_dim3A_608 : vector<16xf32> to vector<1x16xf32>
      tpu.vector_store %arg10[%swap3A_609, %swap3A_610], %swap3A_613 {strides = array<i32>} : memref<100x128xf32, #tpu.memory_space<vmem>>, vector<1x16xf32>,
      %broadcast_in_dim3A_614 = arith.constant 0.000000e+00 : f32
      %broadcast_in_dim3A_615 = vector.broadcast %broadcast_in_dim3A_614 : f32 to vector<16xf32>
      %swap3A_616 = arith.index_cast %scan3A_559 : i32 to index
      %swap3A_617 = arith.constant 0 : index
      %swap3A_618 = tpu.vector_load %arg12[%swap3A_616, %swap3A_617] {strides = array<i32>} : memref<100x16xf32, #tpu.memory_space<vmem>>, vector<1x16xf32>,
      %swap3A_619 = vector.shape_cast %swap3A_618 : vector<1x16xf32> to vector<16xf32>
      %swap3A_620 = vector.shape_cast %broadcast_in_dim3A_615 : vector<16xf32> to vector<1x16xf32>
      tpu.vector_store %arg12[%swap3A_616, %swap3A_617], %swap3A_620 {strides = array<i32>} : memref<100x16xf32, #tpu.memory_space<vmem>>, vector<1x16xf32>,
    }
    %scan3A_7 = arith.constant 100 : i32
    %add3A_8 = arith.constant 0 : i32
    %add3A_9 = arith.addi %multiple_of3A, %add3A_8 : i32
    %dma_start3A = arith.constant 0 : i32
    %dma_start3A_10 = arith.constant 0 : i32
    %dma_start3A_11 = tpu.memref_slice %arg10[%dma_start3A, %dma_start3A_10] : memref<100x128xf32, #tpu.memory_space<vmem>> -> memref<100x128xf32, #tpu.memory_space<vmem>>
    %dma_start3A_12 = arith.constant 0 : i32
    %dma_start3A_13 = tpu.memref_slice %arg13[%add3A_9, %dma_start3A_12] : memref<10112x128xf32, #tpu.memory_space<vmem_shared>> -> memref<100x128xf32, #tpu.memory_space<vmem_shared>>
    %dma_start3A_14 = arith.constant 0 : i32
    %dma_start3A_15 = tpu.memref_slice %arg13[%add3A_9, %dma_start3A_14] : memref<10112x128xf32, #tpu.memory_space<vmem_shared>> -> memref<100x128xf32, #tpu.memory_space<vmem_shared>>
    %dma_start3A_16 = arith.constant 0 : i32
    %dma_start3A_17 = arith.constant 0 : i32
    %dma_start3A_18 = tpu.memref_slice %arg10[%dma_start3A_16, %dma_start3A_17] : memref<100x128xf32, #tpu.memory_space<vmem>> -> memref<100x128xf32, #tpu.memory_space<vmem>>
    tpu.enqueue_dma source(%dma_start3A_18 : memref<100x128xf32, #tpu.memory_space<vmem>>) target(%dma_start3A_15 : memref<100x128xf32, #tpu.memory_space<vmem_shared>>) target_semaphore(%arg23 : memref<!tpu.dma_semaphore, #tpu.memory_space<semaphore_mem>>)
    %add3A_19 = arith.constant 0 : i32
    %add3A_20 = arith.addi %multiple_of3A, %add3A_19 : i32
    %dma_start3A_21 = arith.constant 0 : i32
    %dma_start3A_22 = arith.constant 0 : i32
    %dma_start3A_23 = tpu.memref_slice %arg12[%dma_start3A_21, %dma_start3A_22] : memref<100x16xf32, #tpu.memory_space<vmem>> -> memref<100x16xf32, #tpu.memory_space<vmem>>
    %dma_start3A_24 = arith.constant 0 : i32
    %dma_start3A_25 = tpu.memref_slice %arg14[%add3A_20, %dma_start3A_24] : memref<10112x16xf32, #tpu.memory_space<vmem_shared>> -> memref<100x16xf32, #tpu.memory_space<vmem_shared>>
    %dma_start3A_26 = arith.constant 0 : i32
    %dma_start3A_27 = tpu.memref_slice %arg14[%add3A_20, %dma_start3A_26] : memref<10112x16xf32, #tpu.memory_space<vmem_shared>> -> memref<100x16xf32, #tpu.memory_space<vmem_shared>>
    %dma_start3A_28 = arith.constant 0 : i32
    %dma_start3A_29 = arith.constant 0 : i32
    %dma_start3A_30 = tpu.memref_slice %arg12[%dma_start3A_28, %dma_start3A_29] : memref<100x16xf32, #tpu.memory_space<vmem>> -> memref<100x16xf32, #tpu.memory_space<vmem>>
    tpu.enqueue_dma source(%dma_start3A_30 : memref<100x16xf32, #tpu.memory_space<vmem>>) target(%dma_start3A_27 : memref<100x16xf32, #tpu.memory_space<vmem_shared>>) target_semaphore(%arg23 : memref<!tpu.dma_semaphore, #tpu.memory_space<semaphore_mem>>)
    %add3A_31 = arith.constant 100 : i32
    %add3A_32 = arith.addi %multiple_of3A, %add3A_31 : i32
    %dma_start3A_33 = arith.constant 0 : i32
    %dma_start3A_34 = arith.constant 0 : i32
    %dma_start3A_35 = tpu.memref_slice %arg10[%dma_start3A_33, %dma_start3A_34] : memref<100x128xf32, #tpu.memory_space<vmem>> -> memref<100x128xf32, #tpu.memory_space<vmem>>
    %dma_start3A_36 = arith.constant 0 : i32
    %dma_start3A_37 = tpu.memref_slice %arg13[%add3A_32, %dma_start3A_36] : memref<10112x128xf32, #tpu.memory_space<vmem_shared>> -> memref<100x128xf32, #tpu.memory_space<vmem_shared>>
    %dma_start3A_38 = arith.constant 0 : i32
    %dma_start3A_39 = tpu.memref_slice %arg13[%add3A_32, %dma_start3A_38] : memref<10112x128xf32, #tpu.memory_space<vmem_shared>> -> memref<100x128xf32, #tpu.memory_space<vmem_shared>>
    %dma_start3A_40 = arith.constant 0 : i32
    %dma_start3A_41 = arith.constant 0 : i32
    %dma_start3A_42 = tpu.memref_slice %arg10[%dma_start3A_40, %dma_start3A_41] : memref<100x128xf32, #tpu.memory_space<vmem>> -> memref<100x128xf32, #tpu.memory_space<vmem>>
    tpu.enqueue_dma source(%dma_start3A_42 : memref<100x128xf32, #tpu.memory_space<vmem>>) target(%dma_start3A_39 : memref<100x128xf32, #tpu.memory_space<vmem_shared>>) target_semaphore(%arg23 : memref<!tpu.dma_semaphore, #tpu.memory_space<semaphore_mem>>)
    %add3A_43 = arith.constant 100 : i32
    %add3A_44 = arith.addi %multiple_of3A, %add3A_43 : i32
    %dma_start3A_45 = arith.constant 0 : i32
    %dma_start3A_46 = arith.constant 0 : i32
    %dma_start3A_47 = tpu.memref_slice %arg12[%dma_start3A_45, %dma_start3A_46] : memref<100x16xf32, #tpu.memory_space<vmem>> -> memref<100x16xf32, #tpu.memory_space<vmem>>
    %dma_start3A_48 = arith.constant 0 : i32
    %dma_start3A_49 = tpu.memref_slice %arg14[%add3A_44, %dma_start3A_48] : memref<10112x16xf32, #tpu.memory_space<vmem_shared>> -> memref<100x16xf32, #tpu.memory_space<vmem_shared>>
    %dma_start3A_50 = arith.constant 0 : i32
    %dma_start3A_51 = tpu.memref_slice %arg14[%add3A_44, %dma_start3A_50] : memref<10112x16xf32, #tpu.memory_space<vmem_shared>> -> memref<100x16xf32, #tpu.memory_space<vmem_shared>>
    %dma_start3A_52 = arith.constant 0 : i32
    %dma_start3A_53 = arith.constant 0 : i32
    %dma_start3A_54 = tpu.memref_slice %arg12[%dma_start3A_52, %dma_start3A_53] : memref<100x16xf32, #tpu.memory_space<vmem>> -> memref<100x16xf32, #tpu.memory_space<vmem>>
    tpu.enqueue_dma source(%dma_start3A_54 : memref<100x16xf32, #tpu.memory_space<vmem>>) target(%dma_start3A_51 : memref<100x16xf32, #tpu.memory_space<vmem_shared>>) target_semaphore(%arg23 : memref<!tpu.dma_semaphore, #tpu.memory_space<semaphore_mem>>)
    %add3A_55 = arith.constant 200 : i32
    %add3A_56 = arith.addi %multiple_of3A, %add3A_55 : i32
    %dma_start3A_57 = arith.constant 0 : i32
    %dma_start3A_58 = arith.constant 0 : i32
    %dma_start3A_59 = tpu.memref_slice %arg10[%dma_start3A_57, %dma_start3A_58] : memref<100x128xf32, #tpu.memory_space<vmem>> -> memref<100x128xf32, #tpu.memory_space<vmem>>
    %dma_start3A_60 = arith.constant 0 : i32
    %dma_start3A_61 = tpu.memref_slice %arg13[%add3A_56, %dma_start3A_60] : memref<10112x128xf32, #tpu.memory_space<vmem_shared>> -> memref<100x128xf32, #tpu.memory_space<vmem_shared>>
    %dma_start3A_62 = arith.constant 0 : i32
    %dma_start3A_63 = tpu.memref_slice %arg13[%add3A_56, %dma_start3A_62] : memref<10112x128xf32, #tpu.memory_space<vmem_shared>> -> memref<100x128xf32, #tpu.memory_space<vmem_shared>>
    %dma_start3A_64 = arith.constant 0 : i32
    %dma_start3A_65 = arith.constant 0 : i32
    %dma_start3A_66 = tpu.memref_slice %arg10[%dma_start3A_64, %dma_start3A_65] : memref<100x128xf32, #tpu.memory_space<vmem>> -> memref<100x128xf32, #tpu.memory_space<vmem>>
    tpu.enqueue_dma source(%dma_start3A_66 : memref<100x128xf32, #tpu.memory_space<vmem>>) target(%dma_start3A_63 : memref<100x128xf32, #tpu.memory_space<vmem_shared>>) target_semaphore(%arg23 : memref<!tpu.dma_semaphore, #tpu.memory_space<semaphore_mem>>)
    %add3A_67 = arith.constant 200 : i32
    %add3A_68 = arith.addi %multiple_of3A, %add3A_67 : i32
    %dma_start3A_69 = arith.constant 0 : i32
    %dma_start3A_70 = arith.constant 0 : i32
    %dma_start3A_71 = tpu.memref_slice %arg12[%dma_start3A_69, %dma_start3A_70] : memref<100x16xf32, #tpu.memory_space<vmem>> -> memref<100x16xf32, #tpu.memory_space<vmem>>
    %dma_start3A_72 = arith.constant 0 : i32
    %dma_start3A_73 = tpu.memref_slice %arg14[%add3A_68, %dma_start3A_72] : memref<10112x16xf32, #tpu.memory_space<vmem_shared>> -> memref<100x16xf32, #tpu.memory_space<vmem_shared>>
    %dma_start3A_74 = arith.constant 0 : i32
    %dma_start3A_75 = tpu.memref_slice %arg14[%add3A_68, %dma_start3A_74] : memref<10112x16xf32, #tpu.memory_space<vmem_shared>> -> memref<100x16xf32, #tpu.memory_space<vmem_shared>>
    %dma_start3A_76 = arith.constant 0 : i32
    %dma_start3A_77 = arith.constant 0 : i32
    %dma_start3A_78 = tpu.memref_slice %arg12[%dma_start3A_76, %dma_start3A_77] : memref<100x16xf32, #tpu.memory_space<vmem>> -> memref<100x16xf32, #tpu.memory_space<vmem>>
    tpu.enqueue_dma source(%dma_start3A_78 : memref<100x16xf32, #tpu.memory_space<vmem>>) target(%dma_start3A_75 : memref<100x16xf32, #tpu.memory_space<vmem_shared>>) target_semaphore(%arg23 : memref<!tpu.dma_semaphore, #tpu.memory_space<semaphore_mem>>)
    %add3A_79 = arith.constant 300 : i32
    %add3A_80 = arith.addi %multiple_of3A, %add3A_79 : i32
    %dma_start3A_81 = arith.constant 0 : i32
    %dma_start3A_82 = arith.constant 0 : i32
    %dma_start3A_83 = tpu.memref_slice %arg10[%dma_start3A_81, %dma_start3A_82] : memref<100x128xf32, #tpu.memory_space<vmem>> -> memref<100x128xf32, #tpu.memory_space<vmem>>
    %dma_start3A_84 = arith.constant 0 : i32
    %dma_start3A_85 = tpu.memref_slice %arg13[%add3A_80, %dma_start3A_84] : memref<10112x128xf32, #tpu.memory_space<vmem_shared>> -> memref<100x128xf32, #tpu.memory_space<vmem_shared>>
    %dma_start3A_86 = arith.constant 0 : i32
    %dma_start3A_87 = tpu.memref_slice %arg13[%add3A_80, %dma_start3A_86] : memref<10112x128xf32, #tpu.memory_space<vmem_shared>> -> memref<100x128xf32, #tpu.memory_space<vmem_shared>>
    %dma_start3A_88 = arith.constant 0 : i32
    %dma_start3A_89 = arith.constant 0 : i32
    %dma_start3A_90 = tpu.memref_slice %arg10[%dma_start3A_88, %dma_start3A_89] : memref<100x128xf32, #tpu.memory_space<vmem>> -> memref<100x128xf32, #tpu.memory_space<vmem>>
    tpu.enqueue_dma source(%dma_start3A_90 : memref<100x128xf32, #tpu.memory_space<vmem>>) target(%dma_start3A_87 : memref<100x128xf32, #tpu.memory_space<vmem_shared>>) target_semaphore(%arg23 : memref<!tpu.dma_semaphore, #tpu.memory_space<semaphore_mem>>)
    %add3A_91 = arith.constant 300 : i32
    %add3A_92 = arith.addi %multiple_of3A, %add3A_91 : i32
    %dma_start3A_93 = arith.constant 0 : i32
    %dma_start3A_94 = arith.constant 0 : i32
    %dma_start3A_95 = tpu.memref_slice %arg12[%dma_start3A_93, %dma_start3A_94] : memref<100x16xf32, #tpu.memory_space<vmem>> -> memref<100x16xf32, #tpu.memory_space<vmem>>
    %dma_start3A_96 = arith.constant 0 : i32
    %dma_start3A_97 = tpu.memref_slice %arg14[%add3A_92, %dma_start3A_96] : memref<10112x16xf32, #tpu.memory_space<vmem_shared>> -> memref<100x16xf32, #tpu.memory_space<vmem_shared>>
    %dma_start3A_98 = arith.constant 0 : i32
    %dma_start3A_99 = tpu.memref_slice %arg14[%add3A_92, %dma_start3A_98] : memref<10112x16xf32, #tpu.memory_space<vmem_shared>> -> memref<100x16xf32, #tpu.memory_space<vmem_shared>>
    %dma_start3A_100 = arith.constant 0 : i32
    %dma_start3A_101 = arith.constant 0 : i32
    %dma_start3A_102 = tpu.memref_slice %arg12[%dma_start3A_100, %dma_start3A_101] : memref<100x16xf32, #tpu.memory_space<vmem>> -> memref<100x16xf32, #tpu.memory_space<vmem>>
    tpu.enqueue_dma source(%dma_start3A_102 : memref<100x16xf32, #tpu.memory_space<vmem>>) target(%dma_start3A_99 : memref<100x16xf32, #tpu.memory_space<vmem_shared>>) target_semaphore(%arg23 : memref<!tpu.dma_semaphore, #tpu.memory_space<semaphore_mem>>)
    %add3A_103 = arith.constant 400 : i32
    %add3A_104 = arith.addi %multiple_of3A, %add3A_103 : i32
    %dma_start3A_105 = arith.constant 0 : i32
    %dma_start3A_106 = arith.constant 0 : i32
    %dma_start3A_107 = tpu.memref_slice %arg10[%dma_start3A_105, %dma_start3A_106] : memref<100x128xf32, #tpu.memory_space<vmem>> -> memref<100x128xf32, #tpu.memory_space<vmem>>
    %dma_start3A_108 = arith.constant 0 : i32
    %dma_start3A_109 = tpu.memref_slice %arg13[%add3A_104, %dma_start3A_108] : memref<10112x128xf32, #tpu.memory_space<vmem_shared>> -> memref<100x128xf32, #tpu.memory_space<vmem_shared>>
    %dma_start3A_110 = arith.constant 0 : i32
    %dma_start3A_111 = tpu.memref_slice %arg13[%add3A_104, %dma_start3A_110] : memref<10112x128xf32, #tpu.memory_space<vmem_shared>> -> memref<100x128xf32, #tpu.memory_space<vmem_shared>>
    %dma_start3A_112 = arith.constant 0 : i32
    %dma_start3A_113 = arith.constant 0 : i32
    %dma_start3A_114 = tpu.memref_slice %arg10[%dma_start3A_112, %dma_start3A_113] : memref<100x128xf32, #tpu.memory_space<vmem>> -> memref<100x128xf32, #tpu.memory_space<vmem>>
    tpu.enqueue_dma source(%dma_start3A_114 : memref<100x128xf32, #tpu.memory_space<vmem>>) target(%dma_start3A_111 : memref<100x128xf32, #tpu.memory_space<vmem_shared>>) target_semaphore(%arg23 : memref<!tpu.dma_semaphore, #tpu.memory_space<semaphore_mem>>)
    %add3A_115 = arith.constant 400 : i32
    %add3A_116 = arith.addi %multiple_of3A, %add3A_115 : i32
    %dma_start3A_117 = arith.constant 0 : i32
    %dma_start3A_118 = arith.constant 0 : i32
    %dma_start3A_119 = tpu.memref_slice %arg12[%dma_start3A_117, %dma_start3A_118] : memref<100x16xf32, #tpu.memory_space<vmem>> -> memref<100x16xf32, #tpu.memory_space<vmem>>
    %dma_start3A_120 = arith.constant 0 : i32
    %dma_start3A_121 = tpu.memref_slice %arg14[%add3A_116, %dma_start3A_120] : memref<10112x16xf32, #tpu.memory_space<vmem_shared>> -> memref<100x16xf32, #tpu.memory_space<vmem_shared>>
    %dma_start3A_122 = arith.constant 0 : i32
    %dma_start3A_123 = tpu.memref_slice %arg14[%add3A_116, %dma_start3A_122] : memref<10112x16xf32, #tpu.memory_space<vmem_shared>> -> memref<100x16xf32, #tpu.memory_space<vmem_shared>>
    %dma_start3A_124 = arith.constant 0 : i32
    %dma_start3A_125 = arith.constant 0 : i32
    %dma_start3A_126 = tpu.memref_slice %arg12[%dma_start3A_124, %dma_start3A_125] : memref<100x16xf32, #tpu.memory_space<vmem>> -> memref<100x16xf32, #tpu.memory_space<vmem>>
    tpu.enqueue_dma source(%dma_start3A_126 : memref<100x16xf32, #tpu.memory_space<vmem>>) target(%dma_start3A_123 : memref<100x16xf32, #tpu.memory_space<vmem_shared>>) target_semaphore(%arg23 : memref<!tpu.dma_semaphore, #tpu.memory_space<semaphore_mem>>)
    %add3A_127 = arith.constant 500 : i32
    %add3A_128 = arith.addi %multiple_of3A, %add3A_127 : i32
    %dma_start3A_129 = arith.constant 0 : i32
    %dma_start3A_130 = arith.constant 0 : i32
    %dma_start3A_131 = tpu.memref_slice %arg10[%dma_start3A_129, %dma_start3A_130] : memref<100x128xf32, #tpu.memory_space<vmem>> -> memref<100x128xf32, #tpu.memory_space<vmem>>
    %dma_start3A_132 = arith.constant 0 : i32
    %dma_start3A_133 = tpu.memref_slice %arg13[%add3A_128, %dma_start3A_132] : memref<10112x128xf32, #tpu.memory_space<vmem_shared>> -> memref<100x128xf32, #tpu.memory_space<vmem_shared>>
    %dma_start3A_134 = arith.constant 0 : i32
    %dma_start3A_135 = tpu.memref_slice %arg13[%add3A_128, %dma_start3A_134] : memref<10112x128xf32, #tpu.memory_space<vmem_shared>> -> memref<100x128xf32, #tpu.memory_space<vmem_shared>>
    %dma_start3A_136 = arith.constant 0 : i32
    %dma_start3A_137 = arith.constant 0 : i32
    %dma_start3A_138 = tpu.memref_slice %arg10[%dma_start3A_136, %dma_start3A_137] : memref<100x128xf32, #tpu.memory_space<vmem>> -> memref<100x128xf32, #tpu.memory_space<vmem>>
    tpu.enqueue_dma source(%dma_start3A_138 : memref<100x128xf32, #tpu.memory_space<vmem>>) target(%dma_start3A_135 : memref<100x128xf32, #tpu.memory_space<vmem_shared>>) target_semaphore(%arg23 : memref<!tpu.dma_semaphore, #tpu.memory_space<semaphore_mem>>)
    %add3A_139 = arith.constant 500 : i32
    %add3A_140 = arith.addi %multiple_of3A, %add3A_139 : i32
    %dma_start3A_141 = arith.constant 0 : i32
    %dma_start3A_142 = arith.constant 0 : i32
    %dma_start3A_143 = tpu.memref_slice %arg12[%dma_start3A_141, %dma_start3A_142] : memref<100x16xf32, #tpu.memory_space<vmem>> -> memref<100x16xf32, #tpu.memory_space<vmem>>
    %dma_start3A_144 = arith.constant 0 : i32
    %dma_start3A_145 = tpu.memref_slice %arg14[%add3A_140, %dma_start3A_144] : memref<10112x16xf32, #tpu.memory_space<vmem_shared>> -> memref<100x16xf32, #tpu.memory_space<vmem_shared>>
    %dma_start3A_146 = arith.constant 0 : i32
    %dma_start3A_147 = tpu.memref_slice %arg14[%add3A_140, %dma_start3A_146] : memref<10112x16xf32, #tpu.memory_space<vmem_shared>> -> memref<100x16xf32, #tpu.memory_space<vmem_shared>>
    %dma_start3A_148 = arith.constant 0 : i32
    %dma_start3A_149 = arith.constant 0 : i32
    %dma_start3A_150 = tpu.memref_slice %arg12[%dma_start3A_148, %dma_start3A_149] : memref<100x16xf32, #tpu.memory_space<vmem>> -> memref<100x16xf32, #tpu.memory_space<vmem>>
    tpu.enqueue_dma source(%dma_start3A_150 : memref<100x16xf32, #tpu.memory_space<vmem>>) target(%dma_start3A_147 : memref<100x16xf32, #tpu.memory_space<vmem_shared>>) target_semaphore(%arg23 : memref<!tpu.dma_semaphore, #tpu.memory_space<semaphore_mem>>)
    %add3A_151 = arith.constant 600 : i32
    %add3A_152 = arith.addi %multiple_of3A, %add3A_151 : i32
    %dma_start3A_153 = arith.constant 0 : i32
    %dma_start3A_154 = arith.constant 0 : i32
    %dma_start3A_155 = tpu.memref_slice %arg10[%dma_start3A_153, %dma_start3A_154] : memref<100x128xf32, #tpu.memory_space<vmem>> -> memref<32x128xf32, #tpu.memory_space<vmem>>
    %dma_start3A_156 = arith.constant 0 : i32
    %dma_start3A_157 = tpu.memref_slice %arg13[%add3A_152, %dma_start3A_156] : memref<10112x128xf32, #tpu.memory_space<vmem_shared>> -> memref<32x128xf32, #tpu.memory_space<vmem_shared>>
    %dma_start3A_158 = arith.constant 0 : i32
    %dma_start3A_159 = tpu.memref_slice %arg13[%add3A_152, %dma_start3A_158] : memref<10112x128xf32, #tpu.memory_space<vmem_shared>> -> memref<32x128xf32, #tpu.memory_space<vmem_shared>>
    %dma_start3A_160 = arith.constant 0 : i32
    %dma_start3A_161 = arith.constant 0 : i32
    %dma_start3A_162 = tpu.memref_slice %arg10[%dma_start3A_160, %dma_start3A_161] : memref<100x128xf32, #tpu.memory_space<vmem>> -> memref<32x128xf32, #tpu.memory_space<vmem>>
    tpu.enqueue_dma source(%dma_start3A_162 : memref<32x128xf32, #tpu.memory_space<vmem>>) target(%dma_start3A_159 : memref<32x128xf32, #tpu.memory_space<vmem_shared>>) target_semaphore(%arg23 : memref<!tpu.dma_semaphore, #tpu.memory_space<semaphore_mem>>)
    %add3A_163 = arith.constant 600 : i32
    %add3A_164 = arith.addi %multiple_of3A, %add3A_163 : i32
    %dma_start3A_165 = arith.constant 0 : i32
    %dma_start3A_166 = arith.constant 0 : i32
    %dma_start3A_167 = tpu.memref_slice %arg12[%dma_start3A_165, %dma_start3A_166] : memref<100x16xf32, #tpu.memory_space<vmem>> -> memref<32x16xf32, #tpu.memory_space<vmem>>
    %dma_start3A_168 = arith.constant 0 : i32
    %dma_start3A_169 = tpu.memref_slice %arg14[%add3A_164, %dma_start3A_168] : memref<10112x16xf32, #tpu.memory_space<vmem_shared>> -> memref<32x16xf32, #tpu.memory_space<vmem_shared>>
    %dma_start3A_170 = arith.constant 0 : i32
    %dma_start3A_171 = tpu.memref_slice %arg14[%add3A_164, %dma_start3A_170] : memref<10112x16xf32, #tpu.memory_space<vmem_shared>> -> memref<32x16xf32, #tpu.memory_space<vmem_shared>>
    %dma_start3A_172 = arith.constant 0 : i32
    %dma_start3A_173 = arith.constant 0 : i32
    %dma_start3A_174 = tpu.memref_slice %arg12[%dma_start3A_172, %dma_start3A_173] : memref<100x16xf32, #tpu.memory_space<vmem>> -> memref<32x16xf32, #tpu.memory_space<vmem>>
    tpu.enqueue_dma source(%dma_start3A_174 : memref<32x16xf32, #tpu.memory_space<vmem>>) target(%dma_start3A_171 : memref<32x16xf32, #tpu.memory_space<vmem_shared>>) target_semaphore(%arg23 : memref<!tpu.dma_semaphore, #tpu.memory_space<semaphore_mem>>)
    %add3A_175 = arith.constant 0 : i32
    %add3A_176 = arith.addi %multiple_of3A, %add3A_175 : i32
    %dma_wait3A = arith.constant 0 : i32
    %dma_wait3A_177 = arith.constant 0 : i32
    %dma_wait3A_178 = tpu.memref_slice %arg10[%dma_wait3A, %dma_wait3A_177] : memref<100x128xf32, #tpu.memory_space<vmem>> -> memref<100x128xf32, #tpu.memory_space<vmem>>
    %dma_wait3A_179 = arith.constant 0 : i32
    %dma_wait3A_180 = tpu.memref_slice %arg13[%add3A_176, %dma_wait3A_179] : memref<10112x128xf32, #tpu.memory_space<vmem_shared>> -> memref<100x128xf32, #tpu.memory_space<vmem_shared>>
    %dma_wait3A_181 = arith.constant 0 : i32
    %dma_wait3A_182 = tpu.memref_slice %arg13[%add3A_176, %dma_wait3A_181] : memref<10112x128xf32, #tpu.memory_space<vmem_shared>> -> memref<100x128xf32, #tpu.memory_space<vmem_shared>>
    %dma_wait3A_183 = arith.constant 0 : i32
    %dma_wait3A_184 = arith.constant 0 : i32
    %dma_wait3A_185 = tpu.memref_slice %arg10[%dma_wait3A_183, %dma_wait3A_184] : memref<100x128xf32, #tpu.memory_space<vmem>> -> memref<100x128xf32, #tpu.memory_space<vmem>>
    tpu.wait_dma2 semaphore(%arg23 : memref<!tpu.dma_semaphore, #tpu.memory_space<semaphore_mem>>) src(%dma_wait3A_185 : memref<100x128xf32, #tpu.memory_space<vmem>>) dst(%dma_wait3A_182 : memref<100x128xf32, #tpu.memory_space<vmem_shared>>)
    %add3A_186 = arith.constant 0 : i32
    %add3A_187 = arith.addi %multiple_of3A, %add3A_186 : i32
    %dma_wait3A_188 = arith.constant 0 : i32
    %dma_wait3A_189 = arith.constant 0 : i32
    %dma_wait3A_190 = tpu.memref_slice %arg12[%dma_wait3A_188, %dma_wait3A_189] : memref<100x16xf32, #tpu.memory_space<vmem>> -> memref<100x16xf32, #tpu.memory_space<vmem>>
    %dma_wait3A_191 = arith.constant 0 : i32
    %dma_wait3A_192 = tpu.memref_slice %arg14[%add3A_187, %dma_wait3A_191] : memref<10112x16xf32, #tpu.memory_space<vmem_shared>> -> memref<100x16xf32, #tpu.memory_space<vmem_shared>>
    %dma_wait3A_193 = arith.constant 0 : i32
    %dma_wait3A_194 = tpu.memref_slice %arg14[%add3A_187, %dma_wait3A_193] : memref<10112x16xf32, #tpu.memory_space<vmem_shared>> -> memref<100x16xf32, #tpu.memory_space<vmem_shared>>
    %dma_wait3A_195 = arith.constant 0 : i32
    %dma_wait3A_196 = arith.constant 0 : i32
    %dma_wait3A_197 = tpu.memref_slice %arg12[%dma_wait3A_195, %dma_wait3A_196] : memref<100x16xf32, #tpu.memory_space<vmem>> -> memref<100x16xf32, #tpu.memory_space<vmem>>
    tpu.wait_dma2 semaphore(%arg23 : memref<!tpu.dma_semaphore, #tpu.memory_space<semaphore_mem>>) src(%dma_wait3A_197 : memref<100x16xf32, #tpu.memory_space<vmem>>) dst(%dma_wait3A_194 : memref<100x16xf32, #tpu.memory_space<vmem_shared>>)
    %add3A_198 = arith.constant 100 : i32
    %add3A_199 = arith.addi %multiple_of3A, %add3A_198 : i32
    %dma_wait3A_200 = arith.constant 0 : i32
    %dma_wait3A_201 = arith.constant 0 : i32
    %dma_wait3A_202 = tpu.memref_slice %arg10[%dma_wait3A_200, %dma_wait3A_201] : memref<100x128xf32, #tpu.memory_space<vmem>> -> memref<100x128xf32, #tpu.memory_space<vmem>>
    %dma_wait3A_203 = arith.constant 0 : i32
    %dma_wait3A_204 = tpu.memref_slice %arg13[%add3A_199, %dma_wait3A_203] : memref<10112x128xf32, #tpu.memory_space<vmem_shared>> -> memref<100x128xf32, #tpu.memory_space<vmem_shared>>
    %dma_wait3A_205 = arith.constant 0 : i32
    %dma_wait3A_206 = tpu.memref_slice %arg13[%add3A_199, %dma_wait3A_205] : memref<10112x128xf32, #tpu.memory_space<vmem_shared>> -> memref<100x128xf32, #tpu.memory_space<vmem_shared>>
    %dma_wait3A_207 = arith.constant 0 : i32
    %dma_wait3A_208 = arith.constant 0 : i32
    %dma_wait3A_209 = tpu.memref_slice %arg10[%dma_wait3A_207, %dma_wait3A_208] : memref<100x128xf32, #tpu.memory_space<vmem>> -> memref<100x128xf32, #tpu.memory_space<vmem>>
    tpu.wait_dma2 semaphore(%arg23 : memref<!tpu.dma_semaphore, #tpu.memory_space<semaphore_mem>>) src(%dma_wait3A_209 : memref<100x128xf32, #tpu.memory_space<vmem>>) dst(%dma_wait3A_206 : memref<100x128xf32, #tpu.memory_space<vmem_shared>>)
    %add3A_210 = arith.constant 100 : i32
    %add3A_211 = arith.addi %multiple_of3A, %add3A_210 : i32
    %dma_wait3A_212 = arith.constant 0 : i32
    %dma_wait3A_213 = arith.constant 0 : i32
    %dma_wait3A_214 = tpu.memref_slice %arg12[%dma_wait3A_212, %dma_wait3A_213] : memref<100x16xf32, #tpu.memory_space<vmem>> -> memref<100x16xf32, #tpu.memory_space<vmem>>
    %dma_wait3A_215 = arith.constant 0 : i32
    %dma_wait3A_216 = tpu.memref_slice %arg14[%add3A_211, %dma_wait3A_215] : memref<10112x16xf32, #tpu.memory_space<vmem_shared>> -> memref<100x16xf32, #tpu.memory_space<vmem_shared>>
    %dma_wait3A_217 = arith.constant 0 : i32
    %dma_wait3A_218 = tpu.memref_slice %arg14[%add3A_211, %dma_wait3A_217] : memref<10112x16xf32, #tpu.memory_space<vmem_shared>> -> memref<100x16xf32, #tpu.memory_space<vmem_shared>>
    %dma_wait3A_219 = arith.constant 0 : i32
    %dma_wait3A_220 = arith.constant 0 : i32
    %dma_wait3A_221 = tpu.memref_slice %arg12[%dma_wait3A_219, %dma_wait3A_220] : memref<100x16xf32, #tpu.memory_space<vmem>> -> memref<100x16xf32, #tpu.memory_space<vmem>>
    tpu.wait_dma2 semaphore(%arg23 : memref<!tpu.dma_semaphore, #tpu.memory_space<semaphore_mem>>) src(%dma_wait3A_221 : memref<100x16xf32, #tpu.memory_space<vmem>>) dst(%dma_wait3A_218 : memref<100x16xf32, #tpu.memory_space<vmem_shared>>)
    %add3A_222 = arith.constant 200 : i32
    %add3A_223 = arith.addi %multiple_of3A, %add3A_222 : i32
    %dma_wait3A_224 = arith.constant 0 : i32
    %dma_wait3A_225 = arith.constant 0 : i32
    %dma_wait3A_226 = tpu.memref_slice %arg10[%dma_wait3A_224, %dma_wait3A_225] : memref<100x128xf32, #tpu.memory_space<vmem>> -> memref<100x128xf32, #tpu.memory_space<vmem>>
    %dma_wait3A_227 = arith.constant 0 : i32
    %dma_wait3A_228 = tpu.memref_slice %arg13[%add3A_223, %dma_wait3A_227] : memref<10112x128xf32, #tpu.memory_space<vmem_shared>> -> memref<100x128xf32, #tpu.memory_space<vmem_shared>>
    %dma_wait3A_229 = arith.constant 0 : i32
    %dma_wait3A_230 = tpu.memref_slice %arg13[%add3A_223, %dma_wait3A_229] : memref<10112x128xf32, #tpu.memory_space<vmem_shared>> -> memref<100x128xf32, #tpu.memory_space<vmem_shared>>
    %dma_wait3A_231 = arith.constant 0 : i32
    %dma_wait3A_232 = arith.constant 0 : i32
    %dma_wait3A_233 = tpu.memref_slice %arg10[%dma_wait3A_231, %dma_wait3A_232] : memref<100x128xf32, #tpu.memory_space<vmem>> -> memref<100x128xf32, #tpu.memory_space<vmem>>
    tpu.wait_dma2 semaphore(%arg23 : memref<!tpu.dma_semaphore, #tpu.memory_space<semaphore_mem>>) src(%dma_wait3A_233 : memref<100x128xf32, #tpu.memory_space<vmem>>) dst(%dma_wait3A_230 : memref<100x128xf32, #tpu.memory_space<vmem_shared>>)
    %add3A_234 = arith.constant 200 : i32
    %add3A_235 = arith.addi %multiple_of3A, %add3A_234 : i32
    %dma_wait3A_236 = arith.constant 0 : i32
    %dma_wait3A_237 = arith.constant 0 : i32
    %dma_wait3A_238 = tpu.memref_slice %arg12[%dma_wait3A_236, %dma_wait3A_237] : memref<100x16xf32, #tpu.memory_space<vmem>> -> memref<100x16xf32, #tpu.memory_space<vmem>>
    %dma_wait3A_239 = arith.constant 0 : i32
    %dma_wait3A_240 = tpu.memref_slice %arg14[%add3A_235, %dma_wait3A_239] : memref<10112x16xf32, #tpu.memory_space<vmem_shared>> -> memref<100x16xf32, #tpu.memory_space<vmem_shared>>
    %dma_wait3A_241 = arith.constant 0 : i32
    %dma_wait3A_242 = tpu.memref_slice %arg14[%add3A_235, %dma_wait3A_241] : memref<10112x16xf32, #tpu.memory_space<vmem_shared>> -> memref<100x16xf32, #tpu.memory_space<vmem_shared>>
    %dma_wait3A_243 = arith.constant 0 : i32
    %dma_wait3A_244 = arith.constant 0 : i32
    %dma_wait3A_245 = tpu.memref_slice %arg12[%dma_wait3A_243, %dma_wait3A_244] : memref<100x16xf32, #tpu.memory_space<vmem>> -> memref<100x16xf32, #tpu.memory_space<vmem>>
    tpu.wait_dma2 semaphore(%arg23 : memref<!tpu.dma_semaphore, #tpu.memory_space<semaphore_mem>>) src(%dma_wait3A_245 : memref<100x16xf32, #tpu.memory_space<vmem>>) dst(%dma_wait3A_242 : memref<100x16xf32, #tpu.memory_space<vmem_shared>>)
    %add3A_246 = arith.constant 300 : i32
    %add3A_247 = arith.addi %multiple_of3A, %add3A_246 : i32
    %dma_wait3A_248 = arith.constant 0 : i32
    %dma_wait3A_249 = arith.constant 0 : i32
    %dma_wait3A_250 = tpu.memref_slice %arg10[%dma_wait3A_248, %dma_wait3A_249] : memref<100x128xf32, #tpu.memory_space<vmem>> -> memref<100x128xf32, #tpu.memory_space<vmem>>
    %dma_wait3A_251 = arith.constant 0 : i32
    %dma_wait3A_252 = tpu.memref_slice %arg13[%add3A_247, %dma_wait3A_251] : memref<10112x128xf32, #tpu.memory_space<vmem_shared>> -> memref<100x128xf32, #tpu.memory_space<vmem_shared>>
    %dma_wait3A_253 = arith.constant 0 : i32
    %dma_wait3A_254 = tpu.memref_slice %arg13[%add3A_247, %dma_wait3A_253] : memref<10112x128xf32, #tpu.memory_space<vmem_shared>> -> memref<100x128xf32, #tpu.memory_space<vmem_shared>>
    %dma_wait3A_255 = arith.constant 0 : i32
    %dma_wait3A_256 = arith.constant 0 : i32
    %dma_wait3A_257 = tpu.memref_slice %arg10[%dma_wait3A_255, %dma_wait3A_256] : memref<100x128xf32, #tpu.memory_space<vmem>> -> memref<100x128xf32, #tpu.memory_space<vmem>>
    tpu.wait_dma2 semaphore(%arg23 : memref<!tpu.dma_semaphore, #tpu.memory_space<semaphore_mem>>) src(%dma_wait3A_257 : memref<100x128xf32, #tpu.memory_space<vmem>>) dst(%dma_wait3A_254 : memref<100x128xf32, #tpu.memory_space<vmem_shared>>)
    %add3A_258 = arith.constant 300 : i32
    %add3A_259 = arith.addi %multiple_of3A, %add3A_258 : i32
    %dma_wait3A_260 = arith.constant 0 : i32
    %dma_wait3A_261 = arith.constant 0 : i32
    %dma_wait3A_262 = tpu.memref_slice %arg12[%dma_wait3A_260, %dma_wait3A_261] : memref<100x16xf32, #tpu.memory_space<vmem>> -> memref<100x16xf32, #tpu.memory_space<vmem>>
    %dma_wait3A_263 = arith.constant 0 : i32
    %dma_wait3A_264 = tpu.memref_slice %arg14[%add3A_259, %dma_wait3A_263] : memref<10112x16xf32, #tpu.memory_space<vmem_shared>> -> memref<100x16xf32, #tpu.memory_space<vmem_shared>>
    %dma_wait3A_265 = arith.constant 0 : i32
    %dma_wait3A_266 = tpu.memref_slice %arg14[%add3A_259, %dma_wait3A_265] : memref<10112x16xf32, #tpu.memory_space<vmem_shared>> -> memref<100x16xf32, #tpu.memory_space<vmem_shared>>
    %dma_wait3A_267 = arith.constant 0 : i32
    %dma_wait3A_268 = arith.constant 0 : i32
    %dma_wait3A_269 = tpu.memref_slice %arg12[%dma_wait3A_267, %dma_wait3A_268] : memref<100x16xf32, #tpu.memory_space<vmem>> -> memref<100x16xf32, #tpu.memory_space<vmem>>
    tpu.wait_dma2 semaphore(%arg23 : memref<!tpu.dma_semaphore, #tpu.memory_space<semaphore_mem>>) src(%dma_wait3A_269 : memref<100x16xf32, #tpu.memory_space<vmem>>) dst(%dma_wait3A_266 : memref<100x16xf32, #tpu.memory_space<vmem_shared>>)
    %add3A_270 = arith.constant 400 : i32
    %add3A_271 = arith.addi %multiple_of3A, %add3A_270 : i32
    %dma_wait3A_272 = arith.constant 0 : i32
    %dma_wait3A_273 = arith.constant 0 : i32
    %dma_wait3A_274 = tpu.memref_slice %arg10[%dma_wait3A_272, %dma_wait3A_273] : memref<100x128xf32, #tpu.memory_space<vmem>> -> memref<100x128xf32, #tpu.memory_space<vmem>>
    %dma_wait3A_275 = arith.constant 0 : i32
    %dma_wait3A_276 = tpu.memref_slice %arg13[%add3A_271, %dma_wait3A_275] : memref<10112x128xf32, #tpu.memory_space<vmem_shared>> -> memref<100x128xf32, #tpu.memory_space<vmem_shared>>
    %dma_wait3A_277 = arith.constant 0 : i32
    %dma_wait3A_278 = tpu.memref_slice %arg13[%add3A_271, %dma_wait3A_277] : memref<10112x128xf32, #tpu.memory_space<vmem_shared>> -> memref<100x128xf32, #tpu.memory_space<vmem_shared>>
    %dma_wait3A_279 = arith.constant 0 : i32
    %dma_wait3A_280 = arith.constant 0 : i32
    %dma_wait3A_281 = tpu.memref_slice %arg10[%dma_wait3A_279, %dma_wait3A_280] : memref<100x128xf32, #tpu.memory_space<vmem>> -> memref<100x128xf32, #tpu.memory_space<vmem>>
    tpu.wait_dma2 semaphore(%arg23 : memref<!tpu.dma_semaphore, #tpu.memory_space<semaphore_mem>>) src(%dma_wait3A_281 : memref<100x128xf32, #tpu.memory_space<vmem>>) dst(%dma_wait3A_278 : memref<100x128xf32, #tpu.memory_space<vmem_shared>>)
    %add3A_282 = arith.constant 400 : i32
    %add3A_283 = arith.addi %multiple_of3A, %add3A_282 : i32
    %dma_wait3A_284 = arith.constant 0 : i32
    %dma_wait3A_285 = arith.constant 0 : i32
    %dma_wait3A_286 = tpu.memref_slice %arg12[%dma_wait3A_284, %dma_wait3A_285] : memref<100x16xf32, #tpu.memory_space<vmem>> -> memref<100x16xf32, #tpu.memory_space<vmem>>
    %dma_wait3A_287 = arith.constant 0 : i32
    %dma_wait3A_288 = tpu.memref_slice %arg14[%add3A_283, %dma_wait3A_287] : memref<10112x16xf32, #tpu.memory_space<vmem_shared>> -> memref<100x16xf32, #tpu.memory_space<vmem_shared>>
    %dma_wait3A_289 = arith.constant 0 : i32
    %dma_wait3A_290 = tpu.memref_slice %arg14[%add3A_283, %dma_wait3A_289] : memref<10112x16xf32, #tpu.memory_space<vmem_shared>> -> memref<100x16xf32, #tpu.memory_space<vmem_shared>>
    %dma_wait3A_291 = arith.constant 0 : i32
    %dma_wait3A_292 = arith.constant 0 : i32
    %dma_wait3A_293 = tpu.memref_slice %arg12[%dma_wait3A_291, %dma_wait3A_292] : memref<100x16xf32, #tpu.memory_space<vmem>> -> memref<100x16xf32, #tpu.memory_space<vmem>>
    tpu.wait_dma2 semaphore(%arg23 : memref<!tpu.dma_semaphore, #tpu.memory_space<semaphore_mem>>) src(%dma_wait3A_293 : memref<100x16xf32, #tpu.memory_space<vmem>>) dst(%dma_wait3A_290 : memref<100x16xf32, #tpu.memory_space<vmem_shared>>)
    %add3A_294 = arith.constant 500 : i32
    %add3A_295 = arith.addi %multiple_of3A, %add3A_294 : i32
    %dma_wait3A_296 = arith.constant 0 : i32
    %dma_wait3A_297 = arith.constant 0 : i32
    %dma_wait3A_298 = tpu.memref_slice %arg10[%dma_wait3A_296, %dma_wait3A_297] : memref<100x128xf32, #tpu.memory_space<vmem>> -> memref<100x128xf32, #tpu.memory_space<vmem>>
    %dma_wait3A_299 = arith.constant 0 : i32
    %dma_wait3A_300 = tpu.memref_slice %arg13[%add3A_295, %dma_wait3A_299] : memref<10112x128xf32, #tpu.memory_space<vmem_shared>> -> memref<100x128xf32, #tpu.memory_space<vmem_shared>>
    %dma_wait3A_301 = arith.constant 0 : i32
    %dma_wait3A_302 = tpu.memref_slice %arg13[%add3A_295, %dma_wait3A_301] : memref<10112x128xf32, #tpu.memory_space<vmem_shared>> -> memref<100x128xf32, #tpu.memory_space<vmem_shared>>
    %dma_wait3A_303 = arith.constant 0 : i32
    %dma_wait3A_304 = arith.constant 0 : i32
    %dma_wait3A_305 = tpu.memref_slice %arg10[%dma_wait3A_303, %dma_wait3A_304] : memref<100x128xf32, #tpu.memory_space<vmem>> -> memref<100x128xf32, #tpu.memory_space<vmem>>
    tpu.wait_dma2 semaphore(%arg23 : memref<!tpu.dma_semaphore, #tpu.memory_space<semaphore_mem>>) src(%dma_wait3A_305 : memref<100x128xf32, #tpu.memory_space<vmem>>) dst(%dma_wait3A_302 : memref<100x128xf32, #tpu.memory_space<vmem_shared>>)
    %add3A_306 = arith.constant 500 : i32
    %add3A_307 = arith.addi %multiple_of3A, %add3A_306 : i32
    %dma_wait3A_308 = arith.constant 0 : i32
    %dma_wait3A_309 = arith.constant 0 : i32
    %dma_wait3A_310 = tpu.memref_slice %arg12[%dma_wait3A_308, %dma_wait3A_309] : memref<100x16xf32, #tpu.memory_space<vmem>> -> memref<100x16xf32, #tpu.memory_space<vmem>>
    %dma_wait3A_311 = arith.constant 0 : i32
    %dma_wait3A_312 = tpu.memref_slice %arg14[%add3A_307, %dma_wait3A_311] : memref<10112x16xf32, #tpu.memory_space<vmem_shared>> -> memref<100x16xf32, #tpu.memory_space<vmem_shared>>
    %dma_wait3A_313 = arith.constant 0 : i32
    %dma_wait3A_314 = tpu.memref_slice %arg14[%add3A_307, %dma_wait3A_313] : memref<10112x16xf32, #tpu.memory_space<vmem_shared>> -> memref<100x16xf32, #tpu.memory_space<vmem_shared>>
    %dma_wait3A_315 = arith.constant 0 : i32
    %dma_wait3A_316 = arith.constant 0 : i32
    %dma_wait3A_317 = tpu.memref_slice %arg12[%dma_wait3A_315, %dma_wait3A_316] : memref<100x16xf32, #tpu.memory_space<vmem>> -> memref<100x16xf32, #tpu.memory_space<vmem>>
    tpu.wait_dma2 semaphore(%arg23 : memref<!tpu.dma_semaphore, #tpu.memory_space<semaphore_mem>>) src(%dma_wait3A_317 : memref<100x16xf32, #tpu.memory_space<vmem>>) dst(%dma_wait3A_314 : memref<100x16xf32, #tpu.memory_space<vmem_shared>>)
    %add3A_318 = arith.constant 600 : i32
    %add3A_319 = arith.addi %multiple_of3A, %add3A_318 : i32
    %dma_wait3A_320 = arith.constant 0 : i32
    %dma_wait3A_321 = arith.constant 0 : i32
    %dma_wait3A_322 = tpu.memref_slice %arg10[%dma_wait3A_320, %dma_wait3A_321] : memref<100x128xf32, #tpu.memory_space<vmem>> -> memref<32x128xf32, #tpu.memory_space<vmem>>
    %dma_wait3A_323 = arith.constant 0 : i32
    %dma_wait3A_324 = tpu.memref_slice %arg13[%add3A_319, %dma_wait3A_323] : memref<10112x128xf32, #tpu.memory_space<vmem_shared>> -> memref<32x128xf32, #tpu.memory_space<vmem_shared>>
    %dma_wait3A_325 = arith.constant 0 : i32
    %dma_wait3A_326 = tpu.memref_slice %arg13[%add3A_319, %dma_wait3A_325] : memref<10112x128xf32, #tpu.memory_space<vmem_shared>> -> memref<32x128xf32, #tpu.memory_space<vmem_shared>>
    %dma_wait3A_327 = arith.constant 0 : i32
    %dma_wait3A_328 = arith.constant 0 : i32
    %dma_wait3A_329 = tpu.memref_slice %arg10[%dma_wait3A_327, %dma_wait3A_328] : memref<100x128xf32, #tpu.memory_space<vmem>> -> memref<32x128xf32, #tpu.memory_space<vmem>>
    tpu.wait_dma2 semaphore(%arg23 : memref<!tpu.dma_semaphore, #tpu.memory_space<semaphore_mem>>) src(%dma_wait3A_329 : memref<32x128xf32, #tpu.memory_space<vmem>>) dst(%dma_wait3A_326 : memref<32x128xf32, #tpu.memory_space<vmem_shared>>)
    %add3A_330 = arith.constant 600 : i32
    %add3A_331 = arith.addi %multiple_of3A, %add3A_330 : i32
    %dma_wait3A_332 = arith.constant 0 : i32
    %dma_wait3A_333 = arith.constant 0 : i32
    %dma_wait3A_334 = tpu.memref_slice %arg12[%dma_wait3A_332, %dma_wait3A_333] : memref<100x16xf32, #tpu.memory_space<vmem>> -> memref<32x16xf32, #tpu.memory_space<vmem>>
    %dma_wait3A_335 = arith.constant 0 : i32
    %dma_wait3A_336 = tpu.memref_slice %arg14[%add3A_331, %dma_wait3A_335] : memref<10112x16xf32, #tpu.memory_space<vmem_shared>> -> memref<32x16xf32, #tpu.memory_space<vmem_shared>>
    %dma_wait3A_337 = arith.constant 0 : i32
    %dma_wait3A_338 = tpu.memref_slice %arg14[%add3A_331, %dma_wait3A_337] : memref<10112x16xf32, #tpu.memory_space<vmem_shared>> -> memref<32x16xf32, #tpu.memory_space<vmem_shared>>
    %dma_wait3A_339 = arith.constant 0 : i32
    %dma_wait3A_340 = arith.constant 0 : i32
    %dma_wait3A_341 = tpu.memref_slice %arg12[%dma_wait3A_339, %dma_wait3A_340] : memref<100x16xf32, #tpu.memory_space<vmem>> -> memref<32x16xf32, #tpu.memory_space<vmem>>
    tpu.wait_dma2 semaphore(%arg23 : memref<!tpu.dma_semaphore, #tpu.memory_space<semaphore_mem>>) src(%dma_wait3A_341 : memref<32x16xf32, #tpu.memory_space<vmem>>) dst(%dma_wait3A_338 : memref<32x16xf32, #tpu.memory_space<vmem_shared>>)
    %scan3A_342 = arith.constant 0 : i32
    %scan3A_343 = arith.constant 0 : i32
    %scan3A_344 = arith.constant 100 : i32
    %scan3A_345 = arith.addi %scan3A_343, %scan3A_344 : i32
    %scan3A_346 = arith.constant 1 : i32
    scf.for %scan3A_559 = %scan3A_343 to %scan3A_345 step %scan3A_346  : i32 {
      %broadcast_in_dim3A = arith.constant 1.000000e+00 : f32
      %broadcast_in_dim3A_560 = vector.broadcast %broadcast_in_dim3A : f32 to vector<16xf32>
      %swap3A = arith.index_cast %scan3A_559 : i32 to index
      %swap3A_561 = arith.constant 0 : index
      %swap3A_562 = tpu.vector_load %arg12[%swap3A, %swap3A_561] {strides = array<i32>} : memref<100x16xf32, #tpu.memory_space<vmem>>, vector<1x16xf32>,
      %swap3A_563 = vector.shape_cast %swap3A_562 : vector<1x16xf32> to vector<16xf32>
      %swap3A_564 = vector.shape_cast %broadcast_in_dim3A_560 : vector<16xf32> to vector<1x16xf32>
      tpu.vector_store %arg12[%swap3A, %swap3A_561], %swap3A_564 {strides = array<i32>} : memref<100x16xf32, #tpu.memory_space<vmem>>, vector<1x16xf32>,
    }
    %scan3A_347 = arith.constant 100 : i32
    "tpu.region"() ({
      %run_scoped3A = tpu.sem_alloc : memref<!tpu.dma_semaphore, #tpu.memory_space<semaphore_mem>>
      %dma_start3A_559 = arith.constant 0 : i32
      %dma_start3A_560 = arith.constant 0 : i32
      %dma_start3A_561 = tpu.memref_slice %arg4[%add3A, %dma_start3A_559, %dma_start3A_560] : memref<32x100x100xi32, #tpu.memory_space<hbm>> -> memref<1x100x100xi32, #tpu.memory_space<hbm>>
      %dma_start3A_562 = tpu.memref_squeeze %dma_start3A_561 : memref<1x100x100xi32, #tpu.memory_space<hbm>> -> memref<100x100xi32, #tpu.memory_space<hbm>>
      %dma_start3A_563 = arith.constant 0 : i32
      %dma_start3A_564 = arith.constant 0 : i32
      %dma_start3A_565 = tpu.memref_slice %arg4[%add3A, %dma_start3A_563, %dma_start3A_564] : memref<32x100x100xi32, #tpu.memory_space<hbm>> -> memref<1x100x100xi32, #tpu.memory_space<hbm>>
      %dma_start3A_566 = tpu.memref_squeeze %dma_start3A_565 : memref<1x100x100xi32, #tpu.memory_space<hbm>> -> memref<100x100xi32, #tpu.memory_space<hbm>>
      tpu.enqueue_dma source(%dma_start3A_566 : memref<100x100xi32, #tpu.memory_space<hbm>>) target(%arg7 : memref<100x100xi32, #tpu.memory_space<vmem>>) target_semaphore(%run_scoped3A : memref<!tpu.dma_semaphore, #tpu.memory_space<semaphore_mem>>)
      %dma_wait3A_567 = arith.constant 0 : i32
      %dma_wait3A_568 = arith.constant 0 : i32
      %dma_wait3A_569 = tpu.memref_slice %arg4[%add3A, %dma_wait3A_567, %dma_wait3A_568] : memref<32x100x100xi32, #tpu.memory_space<hbm>> -> memref<1x100x100xi32, #tpu.memory_space<hbm>>
      %dma_wait3A_570 = tpu.memref_squeeze %dma_wait3A_569 : memref<1x100x100xi32, #tpu.memory_space<hbm>> -> memref<100x100xi32, #tpu.memory_space<hbm>>
      %dma_wait3A_571 = arith.constant 0 : i32
      %dma_wait3A_572 = arith.constant 0 : i32
      %dma_wait3A_573 = tpu.memref_slice %arg4[%add3A, %dma_wait3A_571, %dma_wait3A_572] : memref<32x100x100xi32, #tpu.memory_space<hbm>> -> memref<1x100x100xi32, #tpu.memory_space<hbm>>
      %dma_wait3A_574 = tpu.memref_squeeze %dma_wait3A_573 : memref<1x100x100xi32, #tpu.memory_space<hbm>> -> memref<100x100xi32, #tpu.memory_space<hbm>>
      tpu.wait_dma2 semaphore(%run_scoped3A : memref<!tpu.dma_semaphore, #tpu.memory_space<semaphore_mem>>) src(%dma_wait3A_574 : memref<100x100xi32, #tpu.memory_space<hbm>>) dst(%arg7 : memref<100x100xi32, #tpu.memory_space<vmem>>)
      tpu.yield
    }) : () -> ()
    "tpu.region"() ({
      %run_scoped3A = tpu.sem_alloc : memref<!tpu.dma_semaphore, #tpu.memory_space<semaphore_mem>>
      %dma_start3A_559 = arith.constant 0 : i32
      %dma_start3A_560 = arith.constant 0 : i32
      %dma_start3A_561 = tpu.memref_slice %arg3[%add3A, %dma_start3A_559, %dma_start3A_560] : memref<32x100x100xi32, #tpu.memory_space<hbm>> -> memref<1x2x100xi32, #tpu.memory_space<hbm>>
      %dma_start3A_562 = tpu.memref_squeeze %dma_start3A_561 : memref<1x2x100xi32, #tpu.memory_space<hbm>> -> memref<2x100xi32, #tpu.memory_space<hbm>>
      %dma_start3A_563 = arith.constant 0 : i32
      %dma_start3A_564 = arith.constant 0 : i32
      %dma_start3A_565 = tpu.memref_slice %arg3[%add3A, %dma_start3A_563, %dma_start3A_564] : memref<32x100x100xi32, #tpu.memory_space<hbm>> -> memref<1x2x100xi32, #tpu.memory_space<hbm>>
      %dma_start3A_566 = tpu.memref_squeeze %dma_start3A_565 : memref<1x2x100xi32, #tpu.memory_space<hbm>> -> memref<2x100xi32, #tpu.memory_space<hbm>>
      tpu.enqueue_dma source(%dma_start3A_566 : memref<2x100xi32, #tpu.memory_space<hbm>>) target(%arg8 : memref<2x100xi32, #tpu.memory_space<vmem>>) target_semaphore(%run_scoped3A : memref<!tpu.dma_semaphore, #tpu.memory_space<semaphore_mem>>)
      %dma_wait3A_567 = arith.constant 0 : i32
      %dma_wait3A_568 = arith.constant 0 : i32
      %dma_wait3A_569 = tpu.memref_slice %arg3[%add3A, %dma_wait3A_567, %dma_wait3A_568] : memref<32x100x100xi32, #tpu.memory_space<hbm>> -> memref<1x2x100xi32, #tpu.memory_space<hbm>>
      %dma_wait3A_570 = tpu.memref_squeeze %dma_wait3A_569 : memref<1x2x100xi32, #tpu.memory_space<hbm>> -> memref<2x100xi32, #tpu.memory_space<hbm>>
      %dma_wait3A_571 = arith.constant 0 : i32
      %dma_wait3A_572 = arith.constant 0 : i32
      %dma_wait3A_573 = tpu.memref_slice %arg3[%add3A, %dma_wait3A_571, %dma_wait3A_572] : memref<32x100x100xi32, #tpu.memory_space<hbm>> -> memref<1x2x100xi32, #tpu.memory_space<hbm>>
      %dma_wait3A_574 = tpu.memref_squeeze %dma_wait3A_573 : memref<1x2x100xi32, #tpu.memory_space<hbm>> -> memref<2x100xi32, #tpu.memory_space<hbm>>
      tpu.wait_dma2 semaphore(%run_scoped3A : memref<!tpu.dma_semaphore, #tpu.memory_space<semaphore_mem>>) src(%dma_wait3A_574 : memref<2x100xi32, #tpu.memory_space<hbm>>) dst(%arg8 : memref<2x100xi32, #tpu.memory_space<vmem>>)
      tpu.yield
    }) : () -> ()
    %barrier3A = arith.constant 0 : index
    tpu.barrier barrier_id(%barrier3A)
    %dma_start3A_348 = arith.constant 0 : i32
    %dma_start3A_349 = arith.constant 0 : i32
    %dma_start3A_350 = tpu.memref_slice %arg8[%dma_start3A_348, %dma_start3A_349] : memref<2x100xi32, #tpu.memory_space<vmem>> -> memref<1x100xi32, #tpu.memory_space<vmem>>
    %dma_start3A_351 = tpu.memref_squeeze %dma_start3A_350 : memref<1x100xi32, #tpu.memory_space<vmem>> -> memref<100xi32, #tpu.memory_space<vmem>>
    %dma_start3A_352 = arith.constant 0 : i32
    %dma_start3A_353 = arith.constant 0 : i32
    %dma_start3A_354 = tpu.memref_slice %arg2[%dma_start3A_352, %dma_start3A_353] : memref<10000x128xf32, #tpu.memory_space<hbm>> -> memref<10000x128xf32, #tpu.memory_space<hbm>>
    tpu.enqueue_indirect_dma source(%dma_start3A_354 : memref<10000x128xf32, #tpu.memory_space<hbm>>) target(%arg10 : memref<100x128xf32, #tpu.memory_space<vmem>>) offsets(%dma_start3A_351 : memref<100xi32, #tpu.memory_space<vmem>>) semaphore(%arg15 : memref<!tpu.dma_semaphore, #tpu.memory_space<semaphore_mem>>)
    %dma_start3A_355 = arith.constant 2 : i32
    %dma_start3A_356 = arith.constant 0 : i32
    %dma_start3A_357 = tpu.memref_slice %arg3[%add3A, %dma_start3A_355, %dma_start3A_356] : memref<32x100x100xi32, #tpu.memory_space<hbm>> -> memref<1x2x100xi32, #tpu.memory_space<hbm>>
    %dma_start3A_358 = tpu.memref_squeeze %dma_start3A_357 : memref<1x2x100xi32, #tpu.memory_space<hbm>> -> memref<2x100xi32, #tpu.memory_space<hbm>>
    %dma_start3A_359 = arith.constant 2 : i32
    %dma_start3A_360 = arith.constant 0 : i32
    %dma_start3A_361 = tpu.memref_slice %arg3[%add3A, %dma_start3A_359, %dma_start3A_360] : memref<32x100x100xi32, #tpu.memory_space<hbm>> -> memref<1x2x100xi32, #tpu.memory_space<hbm>>
    %dma_start3A_362 = tpu.memref_squeeze %dma_start3A_361 : memref<1x2x100xi32, #tpu.memory_space<hbm>> -> memref<2x100xi32, #tpu.memory_space<hbm>>
    tpu.enqueue_dma source(%dma_start3A_362 : memref<2x100xi32, #tpu.memory_space<hbm>>) target(%arg9 : memref<2x100xi32, #tpu.memory_space<vmem>>) target_semaphore(%arg22 : memref<!tpu.dma_semaphore, #tpu.memory_space<semaphore_mem>>)
    %dma_wait3A_363 = arith.constant 0 : i32
    %dma_wait3A_364 = arith.constant 0 : i32
    %dma_wait3A_365 = tpu.memref_slice %arg8[%dma_wait3A_363, %dma_wait3A_364] : memref<2x100xi32, #tpu.memory_space<vmem>> -> memref<1x100xi32, #tpu.memory_space<vmem>>
    %dma_wait3A_366 = tpu.memref_squeeze %dma_wait3A_365 : memref<1x100xi32, #tpu.memory_space<vmem>> -> memref<100xi32, #tpu.memory_space<vmem>>
    %dma_wait3A_367 = arith.constant 0 : i32
    %dma_wait3A_368 = arith.constant 0 : i32
    %dma_wait3A_369 = tpu.memref_slice %arg2[%dma_wait3A_367, %dma_wait3A_368] : memref<10000x128xf32, #tpu.memory_space<hbm>> -> memref<10000x128xf32, #tpu.memory_space<hbm>>
    tpu.wait_indirect_dma semaphore(%arg15 : memref<!tpu.dma_semaphore, #tpu.memory_space<semaphore_mem>>) src(%dma_wait3A_369 : memref<10000x128xf32, #tpu.memory_space<hbm>>) dst(%arg10 : memref<100x128xf32, #tpu.memory_space<vmem>>)
    %dma_start3A_370 = arith.constant 1 : i32
    %dma_start3A_371 = arith.constant 0 : i32
    %dma_start3A_372 = tpu.memref_slice %arg8[%dma_start3A_370, %dma_start3A_371] : memref<2x100xi32, #tpu.memory_space<vmem>> -> memref<1x100xi32, #tpu.memory_space<vmem>>
    %dma_start3A_373 = tpu.memref_squeeze %dma_start3A_372 : memref<1x100xi32, #tpu.memory_space<vmem>> -> memref<100xi32, #tpu.memory_space<vmem>>
    %dma_start3A_374 = arith.constant 0 : i32
    %dma_start3A_375 = arith.constant 0 : i32
    %dma_start3A_376 = tpu.memref_slice %arg2[%dma_start3A_374, %dma_start3A_375] : memref<10000x128xf32, #tpu.memory_space<hbm>> -> memref<10000x128xf32, #tpu.memory_space<hbm>>
    tpu.enqueue_indirect_dma source(%dma_start3A_376 : memref<10000x128xf32, #tpu.memory_space<hbm>>) target(%arg11 : memref<100x128xf32, #tpu.memory_space<vmem>>) offsets(%dma_start3A_373 : memref<100xi32, #tpu.memory_space<vmem>>) semaphore(%arg16 : memref<!tpu.dma_semaphore, #tpu.memory_space<semaphore_mem>>)
    %dma_start3A_377 = arith.constant 0 : i32
    %dma_start3A_378 = arith.constant 0 : i32
    %dma_start3A_379 = tpu.memref_slice %arg7[%dma_start3A_377, %dma_start3A_378] : memref<100x100xi32, #tpu.memory_space<vmem>> -> memref<1x100xi32, #tpu.memory_space<vmem>>
    %dma_start3A_380 = tpu.memref_squeeze %dma_start3A_379 : memref<1x100xi32, #tpu.memory_space<vmem>> -> memref<100xi32, #tpu.memory_space<vmem>>
    %dma_start3A_381 = arith.constant 0 : i32
    %dma_start3A_382 = arith.constant 0 : i32
    %dma_start3A_383 = tpu.memref_slice %arg13[%dma_start3A_381, %dma_start3A_382] : memref<10112x128xf32, #tpu.memory_space<vmem_shared>> -> memref<10112x128xf32, #tpu.memory_space<vmem_shared>>
    tpu.enqueue_indirect_dma source(%arg10 : memref<100x128xf32, #tpu.memory_space<vmem>>) target(%dma_start3A_383 : memref<10112x128xf32, #tpu.memory_space<vmem_shared>>) offsets(%dma_start3A_380 : memref<100xi32, #tpu.memory_space<vmem>>) semaphore(%arg17 : memref<!tpu.dma_semaphore, #tpu.memory_space<semaphore_mem>>) {add = true}
    %dma_start3A_384 = arith.constant 0 : i32
    %dma_start3A_385 = arith.constant 0 : i32
    %dma_start3A_386 = tpu.memref_slice %arg7[%dma_start3A_384, %dma_start3A_385] : memref<100x100xi32, #tpu.memory_space<vmem>> -> memref<1x100xi32, #tpu.memory_space<vmem>>
    %dma_start3A_387 = tpu.memref_squeeze %dma_start3A_386 : memref<1x100xi32, #tpu.memory_space<vmem>> -> memref<100xi32, #tpu.memory_space<vmem>>
    %dma_start3A_388 = arith.constant 0 : i32
    %dma_start3A_389 = arith.constant 0 : i32
    %dma_start3A_390 = tpu.memref_slice %arg14[%dma_start3A_388, %dma_start3A_389] : memref<10112x16xf32, #tpu.memory_space<vmem_shared>> -> memref<10112x16xf32, #tpu.memory_space<vmem_shared>>
    tpu.enqueue_indirect_dma source(%arg12 : memref<100x16xf32, #tpu.memory_space<vmem>>) target(%dma_start3A_390 : memref<10112x16xf32, #tpu.memory_space<vmem_shared>>) offsets(%dma_start3A_387 : memref<100xi32, #tpu.memory_space<vmem>>) semaphore(%arg19 : memref<!tpu.dma_semaphore, #tpu.memory_space<semaphore_mem>>) {add = true}
    %scan3A_391 = arith.constant 0 : i32
    %scan3A_392 = arith.constant 0 : i32
    %scan3A_393 = arith.constant 24 : i32
    %scan3A_394 = arith.addi %scan3A_392, %scan3A_393 : i32
    %scan3A_395 = arith.constant 1 : i32
    scf.for %scan3A_559 = %scan3A_392 to %scan3A_394 step %scan3A_395  : i32 {
      %mul3A_560 = arith.constant 4 : i32
      %mul3A_561 = arith.muli %mul3A_560, %scan3A_559 : i32
      %add3A_562 = arith.constant 1 : i32
      %add3A_563 = arith.addi %mul3A_561, %add3A_562 : i32
      %add3A_564 = arith.constant 3 : i32
      %add3A_565 = arith.addi %add3A_563, %add3A_564 : i32
      %dma_wait3A_566 = arith.constant 0 : i32
      %dma_wait3A_567 = arith.constant 0 : i32
      %dma_wait3A_568 = tpu.memref_slice %arg8[%dma_wait3A_566, %dma_wait3A_567] : memref<2x100xi32, #tpu.memory_space<vmem>> -> memref<1x100xi32, #tpu.memory_space<vmem>>
      %dma_wait3A_569 = tpu.memref_squeeze %dma_wait3A_568 : memref<1x100xi32, #tpu.memory_space<vmem>> -> memref<100xi32, #tpu.memory_space<vmem>>
      %dma_wait3A_570 = arith.constant 0 : i32
      %dma_wait3A_571 = arith.constant 0 : i32
      %dma_wait3A_572 = tpu.memref_slice %arg2[%dma_wait3A_570, %dma_wait3A_571] : memref<10000x128xf32, #tpu.memory_space<hbm>> -> memref<10000x128xf32, #tpu.memory_space<hbm>>
      tpu.wait_indirect_dma semaphore(%arg16 : memref<!tpu.dma_semaphore, #tpu.memory_space<semaphore_mem>>) src(%dma_wait3A_572 : memref<10000x128xf32, #tpu.memory_space<hbm>>) dst(%arg11 : memref<100x128xf32, #tpu.memory_space<vmem>>)
      %dma_wait3A_573 = arith.constant 0 : i32
      %dma_wait3A_574 = arith.constant 0 : i32
      %dma_wait3A_575 = tpu.memref_slice %arg7[%dma_wait3A_573, %dma_wait3A_574] : memref<100x100xi32, #tpu.memory_space<vmem>> -> memref<1x100xi32, #tpu.memory_space<vmem>>
      %dma_wait3A_576 = tpu.memref_squeeze %dma_wait3A_575 : memref<1x100xi32, #tpu.memory_space<vmem>> -> memref<100xi32, #tpu.memory_space<vmem>>
      %dma_wait3A_577 = arith.constant 0 : i32
      %dma_wait3A_578 = arith.constant 0 : i32
      %dma_wait3A_579 = tpu.memref_slice %arg13[%dma_wait3A_577, %dma_wait3A_578] : memref<10112x128xf32, #tpu.memory_space<vmem_shared>> -> memref<10112x128xf32, #tpu.memory_space<vmem_shared>>
      tpu.wait_indirect_dma semaphore(%arg17 : memref<!tpu.dma_semaphore, #tpu.memory_space<semaphore_mem>>) src(%arg10 : memref<100x128xf32, #tpu.memory_space<vmem>>) dst(%dma_wait3A_579 : memref<10112x128xf32, #tpu.memory_space<vmem_shared>>)
      %dma_wait3A_580 = arith.constant 0 : i32
      %dma_wait3A_581 = arith.constant 0 : i32
      %dma_wait3A_582 = tpu.memref_slice %arg7[%dma_wait3A_580, %dma_wait3A_581] : memref<100x100xi32, #tpu.memory_space<vmem>> -> memref<1x100xi32, #tpu.memory_space<vmem>>
      %dma_wait3A_583 = tpu.memref_squeeze %dma_wait3A_582 : memref<1x100xi32, #tpu.memory_space<vmem>> -> memref<100xi32, #tpu.memory_space<vmem>>
      %dma_wait3A_584 = arith.constant 0 : i32
      %dma_wait3A_585 = arith.constant 0 : i32
      %dma_wait3A_586 = tpu.memref_slice %arg14[%dma_wait3A_584, %dma_wait3A_585] : memref<10112x16xf32, #tpu.memory_space<vmem_shared>> -> memref<10112x16xf32, #tpu.memory_space<vmem_shared>>
      tpu.wait_indirect_dma semaphore(%arg19 : memref<!tpu.dma_semaphore, #tpu.memory_space<semaphore_mem>>) src(%arg12 : memref<100x16xf32, #tpu.memory_space<vmem>>) dst(%dma_wait3A_586 : memref<10112x16xf32, #tpu.memory_space<vmem_shared>>)
      %dma_wait3A_587 = arith.constant 0 : i32
      %dma_wait3A_588 = arith.constant 0 : i32
      %dma_wait3A_589 = tpu.memref_slice %arg3[%add3A, %dma_wait3A_587, %dma_wait3A_588] : memref<32x100x100xi32, #tpu.memory_space<hbm>> -> memref<1x2x100xi32, #tpu.memory_space<hbm>>
      %dma_wait3A_590 = tpu.memref_squeeze %dma_wait3A_589 : memref<1x2x100xi32, #tpu.memory_space<hbm>> -> memref<2x100xi32, #tpu.memory_space<hbm>>
      %dma_wait3A_591 = arith.constant 0 : i32
      %dma_wait3A_592 = arith.constant 0 : i32
      %dma_wait3A_593 = tpu.memref_slice %arg3[%add3A, %dma_wait3A_591, %dma_wait3A_592] : memref<32x100x100xi32, #tpu.memory_space<hbm>> -> memref<1x2x100xi32, #tpu.memory_space<hbm>>
      %dma_wait3A_594 = tpu.memref_squeeze %dma_wait3A_593 : memref<1x2x100xi32, #tpu.memory_space<hbm>> -> memref<2x100xi32, #tpu.memory_space<hbm>>
      tpu.wait_dma2 semaphore(%arg22 : memref<!tpu.dma_semaphore, #tpu.memory_space<semaphore_mem>>) src(%dma_wait3A_594 : memref<2x100xi32, #tpu.memory_space<hbm>>) dst(%arg9 : memref<2x100xi32, #tpu.memory_space<vmem>>)
      %dma_start3A_595 = arith.constant 0 : i32
      %dma_start3A_596 = arith.constant 0 : i32
      %dma_start3A_597 = tpu.memref_slice %arg9[%dma_start3A_595, %dma_start3A_596] : memref<2x100xi32, #tpu.memory_space<vmem>> -> memref<1x100xi32, #tpu.memory_space<vmem>>
      %dma_start3A_598 = tpu.memref_squeeze %dma_start3A_597 : memref<1x100xi32, #tpu.memory_space<vmem>> -> memref<100xi32, #tpu.memory_space<vmem>>
      %dma_start3A_599 = arith.constant 0 : i32
      %dma_start3A_600 = arith.constant 0 : i32
      %dma_start3A_601 = tpu.memref_slice %arg2[%dma_start3A_599, %dma_start3A_600] : memref<10000x128xf32, #tpu.memory_space<hbm>> -> memref<10000x128xf32, #tpu.memory_space<hbm>>
      tpu.enqueue_indirect_dma source(%dma_start3A_601 : memref<10000x128xf32, #tpu.memory_space<hbm>>) target(%arg10 : memref<100x128xf32, #tpu.memory_space<vmem>>) offsets(%dma_start3A_598 : memref<100xi32, #tpu.memory_space<vmem>>) semaphore(%arg15 : memref<!tpu.dma_semaphore, #tpu.memory_space<semaphore_mem>>)
      %dma_start3A_602 = arith.constant 0 : i32
      %dma_start3A_603 = tpu.memref_slice %arg7[%add3A_563, %dma_start3A_602] : memref<100x100xi32, #tpu.memory_space<vmem>> -> memref<1x100xi32, #tpu.memory_space<vmem>>
      %dma_start3A_604 = tpu.memref_squeeze %dma_start3A_603 : memref<1x100xi32, #tpu.memory_space<vmem>> -> memref<100xi32, #tpu.memory_space<vmem>>
      %dma_start3A_605 = arith.constant 0 : i32
      %dma_start3A_606 = arith.constant 0 : i32
      %dma_start3A_607 = tpu.memref_slice %arg13[%dma_start3A_605, %dma_start3A_606] : memref<10112x128xf32, #tpu.memory_space<vmem_shared>> -> memref<10112x128xf32, #tpu.memory_space<vmem_shared>>
      tpu.enqueue_indirect_dma source(%arg11 : memref<100x128xf32, #tpu.memory_space<vmem>>) target(%dma_start3A_607 : memref<10112x128xf32, #tpu.memory_space<vmem_shared>>) offsets(%dma_start3A_604 : memref<100xi32, #tpu.memory_space<vmem>>) semaphore(%arg18 : memref<!tpu.dma_semaphore, #tpu.memory_space<semaphore_mem>>) {add = true}
      %dma_start3A_608 = arith.constant 0 : i32
      %dma_start3A_609 = tpu.memref_slice %arg7[%add3A_563, %dma_start3A_608] : memref<100x100xi32, #tpu.memory_space<vmem>> -> memref<1x100xi32, #tpu.memory_space<vmem>>
      %dma_start3A_610 = tpu.memref_squeeze %dma_start3A_609 : memref<1x100xi32, #tpu.memory_space<vmem>> -> memref<100xi32, #tpu.memory_space<vmem>>
      %dma_start3A_611 = arith.constant 0 : i32
      %dma_start3A_612 = arith.constant 0 : i32
      %dma_start3A_613 = tpu.memref_slice %arg14[%dma_start3A_611, %dma_start3A_612] : memref<10112x16xf32, #tpu.memory_space<vmem_shared>> -> memref<10112x16xf32, #tpu.memory_space<vmem_shared>>
      tpu.enqueue_indirect_dma source(%arg12 : memref<100x16xf32, #tpu.memory_space<vmem>>) target(%dma_start3A_613 : memref<10112x16xf32, #tpu.memory_space<vmem_shared>>) offsets(%dma_start3A_610 : memref<100xi32, #tpu.memory_space<vmem>>) semaphore(%arg20 : memref<!tpu.dma_semaphore, #tpu.memory_space<semaphore_mem>>) {add = true}
      %dma_start3A_614 = arith.constant 0 : i32
      %dma_start3A_615 = tpu.memref_slice %arg3[%add3A, %add3A_565, %dma_start3A_614] : memref<32x100x100xi32, #tpu.memory_space<hbm>> -> memref<1x2x100xi32, #tpu.memory_space<hbm>>
      %dma_start3A_616 = tpu.memref_squeeze %dma_start3A_615 : memref<1x2x100xi32, #tpu.memory_space<hbm>> -> memref<2x100xi32, #tpu.memory_space<hbm>>
      %dma_start3A_617 = arith.constant 0 : i32
      %dma_start3A_618 = tpu.memref_slice %arg3[%add3A, %add3A_565, %dma_start3A_617] : memref<32x100x100xi32, #tpu.memory_space<hbm>> -> memref<1x2x100xi32, #tpu.memory_space<hbm>>
      %dma_start3A_619 = tpu.memref_squeeze %dma_start3A_618 : memref<1x2x100xi32, #tpu.memory_space<hbm>> -> memref<2x100xi32, #tpu.memory_space<hbm>>
      tpu.enqueue_dma source(%dma_start3A_619 : memref<2x100xi32, #tpu.memory_space<hbm>>) target(%arg8 : memref<2x100xi32, #tpu.memory_space<vmem>>) target_semaphore(%arg21 : memref<!tpu.dma_semaphore, #tpu.memory_space<semaphore_mem>>)
      %add3A_620 = arith.constant 1 : i32
      %add3A_621 = arith.addi %add3A_563, %add3A_620 : i32
      %dma_wait3A_622 = arith.constant 0 : i32
      %dma_wait3A_623 = arith.constant 0 : i32
      %dma_wait3A_624 = tpu.memref_slice %arg8[%dma_wait3A_622, %dma_wait3A_623] : memref<2x100xi32, #tpu.memory_space<vmem>> -> memref<1x100xi32, #tpu.memory_space<vmem>>
      %dma_wait3A_625 = tpu.memref_squeeze %dma_wait3A_624 : memref<1x100xi32, #tpu.memory_space<vmem>> -> memref<100xi32, #tpu.memory_space<vmem>>
      %dma_wait3A_626 = arith.constant 0 : i32
      %dma_wait3A_627 = arith.constant 0 : i32
      %dma_wait3A_628 = tpu.memref_slice %arg2[%dma_wait3A_626, %dma_wait3A_627] : memref<10000x128xf32, #tpu.memory_space<hbm>> -> memref<10000x128xf32, #tpu.memory_space<hbm>>
      tpu.wait_indirect_dma semaphore(%arg15 : memref<!tpu.dma_semaphore, #tpu.memory_space<semaphore_mem>>) src(%dma_wait3A_628 : memref<10000x128xf32, #tpu.memory_space<hbm>>) dst(%arg10 : memref<100x128xf32, #tpu.memory_space<vmem>>)
      %dma_wait3A_629 = arith.constant 0 : i32
      %dma_wait3A_630 = arith.constant 0 : i32
      %dma_wait3A_631 = tpu.memref_slice %arg7[%dma_wait3A_629, %dma_wait3A_630] : memref<100x100xi32, #tpu.memory_space<vmem>> -> memref<1x100xi32, #tpu.memory_space<vmem>>
      %dma_wait3A_632 = tpu.memref_squeeze %dma_wait3A_631 : memref<1x100xi32, #tpu.memory_space<vmem>> -> memref<100xi32, #tpu.memory_space<vmem>>
      %dma_wait3A_633 = arith.constant 0 : i32
      %dma_wait3A_634 = arith.constant 0 : i32
      %dma_wait3A_635 = tpu.memref_slice %arg13[%dma_wait3A_633, %dma_wait3A_634] : memref<10112x128xf32, #tpu.memory_space<vmem_shared>> -> memref<10112x128xf32, #tpu.memory_space<vmem_shared>>
      tpu.wait_indirect_dma semaphore(%arg18 : memref<!tpu.dma_semaphore, #tpu.memory_space<semaphore_mem>>) src(%arg11 : memref<100x128xf32, #tpu.memory_space<vmem>>) dst(%dma_wait3A_635 : memref<10112x128xf32, #tpu.memory_space<vmem_shared>>)
      %dma_wait3A_636 = arith.constant 0 : i32
      %dma_wait3A_637 = arith.constant 0 : i32
      %dma_wait3A_638 = tpu.memref_slice %arg7[%dma_wait3A_636, %dma_wait3A_637] : memref<100x100xi32, #tpu.memory_space<vmem>> -> memref<1x100xi32, #tpu.memory_space<vmem>>
      %dma_wait3A_639 = tpu.memref_squeeze %dma_wait3A_638 : memref<1x100xi32, #tpu.memory_space<vmem>> -> memref<100xi32, #tpu.memory_space<vmem>>
      %dma_wait3A_640 = arith.constant 0 : i32
      %dma_wait3A_641 = arith.constant 0 : i32
      %dma_wait3A_642 = tpu.memref_slice %arg14[%dma_wait3A_640, %dma_wait3A_641] : memref<10112x16xf32, #tpu.memory_space<vmem_shared>> -> memref<10112x16xf32, #tpu.memory_space<vmem_shared>>
      tpu.wait_indirect_dma semaphore(%arg20 : memref<!tpu.dma_semaphore, #tpu.memory_space<semaphore_mem>>) src(%arg12 : memref<100x16xf32, #tpu.memory_space<vmem>>) dst(%dma_wait3A_642 : memref<10112x16xf32, #tpu.memory_space<vmem_shared>>)
      %dma_start3A_643 = arith.constant 1 : i32
      %dma_start3A_644 = arith.constant 0 : i32
      %dma_start3A_645 = tpu.memref_slice %arg9[%dma_start3A_643, %dma_start3A_644] : memref<2x100xi32, #tpu.memory_space<vmem>> -> memref<1x100xi32, #tpu.memory_space<vmem>>
      %dma_start3A_646 = tpu.memref_squeeze %dma_start3A_645 : memref<1x100xi32, #tpu.memory_space<vmem>> -> memref<100xi32, #tpu.memory_space<vmem>>
      %dma_start3A_647 = arith.constant 0 : i32
      %dma_start3A_648 = arith.constant 0 : i32
      %dma_start3A_649 = tpu.memref_slice %arg2[%dma_start3A_647, %dma_start3A_648] : memref<10000x128xf32, #tpu.memory_space<hbm>> -> memref<10000x128xf32, #tpu.memory_space<hbm>>
      tpu.enqueue_indirect_dma source(%dma_start3A_649 : memref<10000x128xf32, #tpu.memory_space<hbm>>) target(%arg11 : memref<100x128xf32, #tpu.memory_space<vmem>>) offsets(%dma_start3A_646 : memref<100xi32, #tpu.memory_space<vmem>>) semaphore(%arg16 : memref<!tpu.dma_semaphore, #tpu.memory_space<semaphore_mem>>)
      %dma_start3A_650 = arith.constant 0 : i32
      %dma_start3A_651 = tpu.memref_slice %arg7[%add3A_621, %dma_start3A_650] : memref<100x100xi32, #tpu.memory_space<vmem>> -> memref<1x100xi32, #tpu.memory_space<vmem>>
      %dma_start3A_652 = tpu.memref_squeeze %dma_start3A_651 : memref<1x100xi32, #tpu.memory_space<vmem>> -> memref<100xi32, #tpu.memory_space<vmem>>
      %dma_start3A_653 = arith.constant 0 : i32
      %dma_start3A_654 = arith.constant 0 : i32
      %dma_start3A_655 = tpu.memref_slice %arg13[%dma_start3A_653, %dma_start3A_654] : memref<10112x128xf32, #tpu.memory_space<vmem_shared>> -> memref<10112x128xf32, #tpu.memory_space<vmem_shared>>
      tpu.enqueue_indirect_dma source(%arg10 : memref<100x128xf32, #tpu.memory_space<vmem>>) target(%dma_start3A_655 : memref<10112x128xf32, #tpu.memory_space<vmem_shared>>) offsets(%dma_start3A_652 : memref<100xi32, #tpu.memory_space<vmem>>) semaphore(%arg17 : memref<!tpu.dma_semaphore, #tpu.memory_space<semaphore_mem>>) {add = true}
      %dma_start3A_656 = arith.constant 0 : i32
      %dma_start3A_657 = tpu.memref_slice %arg7[%add3A_621, %dma_start3A_656] : memref<100x100xi32, #tpu.memory_space<vmem>> -> memref<1x100xi32, #tpu.memory_space<vmem>>
      %dma_start3A_658 = tpu.memref_squeeze %dma_start3A_657 : memref<1x100xi32, #tpu.memory_space<vmem>> -> memref<100xi32, #tpu.memory_space<vmem>>
      %dma_start3A_659 = arith.constant 0 : i32
      %dma_start3A_660 = arith.constant 0 : i32
      %dma_start3A_661 = tpu.memref_slice %arg14[%dma_start3A_659, %dma_start3A_660] : memref<10112x16xf32, #tpu.memory_space<vmem_shared>> -> memref<10112x16xf32, #tpu.memory_space<vmem_shared>>
      tpu.enqueue_indirect_dma source(%arg12 : memref<100x16xf32, #tpu.memory_space<vmem>>) target(%dma_start3A_661 : memref<10112x16xf32, #tpu.memory_space<vmem_shared>>) offsets(%dma_start3A_658 : memref<100xi32, #tpu.memory_space<vmem>>) semaphore(%arg19 : memref<!tpu.dma_semaphore, #tpu.memory_space<semaphore_mem>>) {add = true}
      %add3A_662 = arith.constant 2 : i32
      %add3A_663 = arith.addi %add3A_563, %add3A_662 : i32
      %add3A_664 = arith.constant 5 : i32
      %add3A_665 = arith.addi %add3A_563, %add3A_664 : i32
      %dma_wait3A_666 = arith.constant 0 : i32
      %dma_wait3A_667 = arith.constant 0 : i32
      %dma_wait3A_668 = tpu.memref_slice %arg8[%dma_wait3A_666, %dma_wait3A_667] : memref<2x100xi32, #tpu.memory_space<vmem>> -> memref<1x100xi32, #tpu.memory_space<vmem>>
      %dma_wait3A_669 = tpu.memref_squeeze %dma_wait3A_668 : memref<1x100xi32, #tpu.memory_space<vmem>> -> memref<100xi32, #tpu.memory_space<vmem>>
      %dma_wait3A_670 = arith.constant 0 : i32
      %dma_wait3A_671 = arith.constant 0 : i32
      %dma_wait3A_672 = tpu.memref_slice %arg2[%dma_wait3A_670, %dma_wait3A_671] : memref<10000x128xf32, #tpu.memory_space<hbm>> -> memref<10000x128xf32, #tpu.memory_space<hbm>>
      tpu.wait_indirect_dma semaphore(%arg16 : memref<!tpu.dma_semaphore, #tpu.memory_space<semaphore_mem>>) src(%dma_wait3A_672 : memref<10000x128xf32, #tpu.memory_space<hbm>>) dst(%arg11 : memref<100x128xf32, #tpu.memory_space<vmem>>)
      %dma_wait3A_673 = arith.constant 0 : i32
      %dma_wait3A_674 = arith.constant 0 : i32
      %dma_wait3A_675 = tpu.memref_slice %arg7[%dma_wait3A_673, %dma_wait3A_674] : memref<100x100xi32, #tpu.memory_space<vmem>> -> memref<1x100xi32, #tpu.memory_space<vmem>>
      %dma_wait3A_676 = tpu.memref_squeeze %dma_wait3A_675 : memref<1x100xi32, #tpu.memory_space<vmem>> -> memref<100xi32, #tpu.memory_space<vmem>>
      %dma_wait3A_677 = arith.constant 0 : i32
      %dma_wait3A_678 = arith.constant 0 : i32
      %dma_wait3A_679 = tpu.memref_slice %arg13[%dma_wait3A_677, %dma_wait3A_678] : memref<10112x128xf32, #tpu.memory_space<vmem_shared>> -> memref<10112x128xf32, #tpu.memory_space<vmem_shared>>
      tpu.wait_indirect_dma semaphore(%arg17 : memref<!tpu.dma_semaphore, #tpu.memory_space<semaphore_mem>>) src(%arg10 : memref<100x128xf32, #tpu.memory_space<vmem>>) dst(%dma_wait3A_679 : memref<10112x128xf32, #tpu.memory_space<vmem_shared>>)
      %dma_wait3A_680 = arith.constant 0 : i32
      %dma_wait3A_681 = arith.constant 0 : i32
      %dma_wait3A_682 = tpu.memref_slice %arg7[%dma_wait3A_680, %dma_wait3A_681] : memref<100x100xi32, #tpu.memory_space<vmem>> -> memref<1x100xi32, #tpu.memory_space<vmem>>
      %dma_wait3A_683 = tpu.memref_squeeze %dma_wait3A_682 : memref<1x100xi32, #tpu.memory_space<vmem>> -> memref<100xi32, #tpu.memory_space<vmem>>
      %dma_wait3A_684 = arith.constant 0 : i32
      %dma_wait3A_685 = arith.constant 0 : i32
      %dma_wait3A_686 = tpu.memref_slice %arg14[%dma_wait3A_684, %dma_wait3A_685] : memref<10112x16xf32, #tpu.memory_space<vmem_shared>> -> memref<10112x16xf32, #tpu.memory_space<vmem_shared>>
      tpu.wait_indirect_dma semaphore(%arg19 : memref<!tpu.dma_semaphore, #tpu.memory_space<semaphore_mem>>) src(%arg12 : memref<100x16xf32, #tpu.memory_space<vmem>>) dst(%dma_wait3A_686 : memref<10112x16xf32, #tpu.memory_space<vmem_shared>>)
      %dma_wait3A_687 = arith.constant 0 : i32
      %dma_wait3A_688 = arith.constant 0 : i32
      %dma_wait3A_689 = tpu.memref_slice %arg3[%add3A, %dma_wait3A_687, %dma_wait3A_688] : memref<32x100x100xi32, #tpu.memory_space<hbm>> -> memref<1x2x100xi32, #tpu.memory_space<hbm>>
      %dma_wait3A_690 = tpu.memref_squeeze %dma_wait3A_689 : memref<1x2x100xi32, #tpu.memory_space<hbm>> -> memref<2x100xi32, #tpu.memory_space<hbm>>
      %dma_wait3A_691 = arith.constant 0 : i32
      %dma_wait3A_692 = arith.constant 0 : i32
      %dma_wait3A_693 = tpu.memref_slice %arg3[%add3A, %dma_wait3A_691, %dma_wait3A_692] : memref<32x100x100xi32, #tpu.memory_space<hbm>> -> memref<1x2x100xi32, #tpu.memory_space<hbm>>
      %dma_wait3A_694 = tpu.memref_squeeze %dma_wait3A_693 : memref<1x2x100xi32, #tpu.memory_space<hbm>> -> memref<2x100xi32, #tpu.memory_space<hbm>>
      tpu.wait_dma2 semaphore(%arg21 : memref<!tpu.dma_semaphore, #tpu.memory_space<semaphore_mem>>) src(%dma_wait3A_694 : memref<2x100xi32, #tpu.memory_space<hbm>>) dst(%arg8 : memref<2x100xi32, #tpu.memory_space<vmem>>)
      %dma_start3A_695 = arith.constant 0 : i32
      %dma_start3A_696 = arith.constant 0 : i32
      %dma_start3A_697 = tpu.memref_slice %arg8[%dma_start3A_695, %dma_start3A_696] : memref<2x100xi32, #tpu.memory_space<vmem>> -> memref<1x100xi32, #tpu.memory_space<vmem>>
      %dma_start3A_698 = tpu.memref_squeeze %dma_start3A_697 : memref<1x100xi32, #tpu.memory_space<vmem>> -> memref<100xi32, #tpu.memory_space<vmem>>
      %dma_start3A_699 = arith.constant 0 : i32
      %dma_start3A_700 = arith.constant 0 : i32
      %dma_start3A_701 = tpu.memref_slice %arg2[%dma_start3A_699, %dma_start3A_700] : memref<10000x128xf32, #tpu.memory_space<hbm>> -> memref<10000x128xf32, #tpu.memory_space<hbm>>
      tpu.enqueue_indirect_dma source(%dma_start3A_701 : memref<10000x128xf32, #tpu.memory_space<hbm>>) target(%arg10 : memref<100x128xf32, #tpu.memory_space<vmem>>) offsets(%dma_start3A_698 : memref<100xi32, #tpu.memory_space<vmem>>) semaphore(%arg15 : memref<!tpu.dma_semaphore, #tpu.memory_space<semaphore_mem>>)
      %dma_start3A_702 = arith.constant 0 : i32
      %dma_start3A_703 = tpu.memref_slice %arg7[%add3A_663, %dma_start3A_702] : memref<100x100xi32, #tpu.memory_space<vmem>> -> memref<1x100xi32, #tpu.memory_space<vmem>>
      %dma_start3A_704 = tpu.memref_squeeze %dma_start3A_703 : memref<1x100xi32, #tpu.memory_space<vmem>> -> memref<100xi32, #tpu.memory_space<vmem>>
      %dma_start3A_705 = arith.constant 0 : i32
      %dma_start3A_706 = arith.constant 0 : i32
      %dma_start3A_707 = tpu.memref_slice %arg13[%dma_start3A_705, %dma_start3A_706] : memref<10112x128xf32, #tpu.memory_space<vmem_shared>> -> memref<10112x128xf32, #tpu.memory_space<vmem_shared>>
      tpu.enqueue_indirect_dma source(%arg11 : memref<100x128xf32, #tpu.memory_space<vmem>>) target(%dma_start3A_707 : memref<10112x128xf32, #tpu.memory_space<vmem_shared>>) offsets(%dma_start3A_704 : memref<100xi32, #tpu.memory_space<vmem>>) semaphore(%arg18 : memref<!tpu.dma_semaphore, #tpu.memory_space<semaphore_mem>>) {add = true}
      %dma_start3A_708 = arith.constant 0 : i32
      %dma_start3A_709 = tpu.memref_slice %arg7[%add3A_663, %dma_start3A_708] : memref<100x100xi32, #tpu.memory_space<vmem>> -> memref<1x100xi32, #tpu.memory_space<vmem>>
      %dma_start3A_710 = tpu.memref_squeeze %dma_start3A_709 : memref<1x100xi32, #tpu.memory_space<vmem>> -> memref<100xi32, #tpu.memory_space<vmem>>
      %dma_start3A_711 = arith.constant 0 : i32
      %dma_start3A_712 = arith.constant 0 : i32
      %dma_start3A_713 = tpu.memref_slice %arg14[%dma_start3A_711, %dma_start3A_712] : memref<10112x16xf32, #tpu.memory_space<vmem_shared>> -> memref<10112x16xf32, #tpu.memory_space<vmem_shared>>
      tpu.enqueue_indirect_dma source(%arg12 : memref<100x16xf32, #tpu.memory_space<vmem>>) target(%dma_start3A_713 : memref<10112x16xf32, #tpu.memory_space<vmem_shared>>) offsets(%dma_start3A_710 : memref<100xi32, #tpu.memory_space<vmem>>) semaphore(%arg20 : memref<!tpu.dma_semaphore, #tpu.memory_space<semaphore_mem>>) {add = true}
      %dma_start3A_714 = arith.constant 0 : i32
      %dma_start3A_715 = tpu.memref_slice %arg3[%add3A, %add3A_665, %dma_start3A_714] : memref<32x100x100xi32, #tpu.memory_space<hbm>> -> memref<1x2x100xi32, #tpu.memory_space<hbm>>
      %dma_start3A_716 = tpu.memref_squeeze %dma_start3A_715 : memref<1x2x100xi32, #tpu.memory_space<hbm>> -> memref<2x100xi32, #tpu.memory_space<hbm>>
      %dma_start3A_717 = arith.constant 0 : i32
      %dma_start3A_718 = tpu.memref_slice %arg3[%add3A, %add3A_665, %dma_start3A_717] : memref<32x100x100xi32, #tpu.memory_space<hbm>> -> memref<1x2x100xi32, #tpu.memory_space<hbm>>
      %dma_start3A_719 = tpu.memref_squeeze %dma_start3A_718 : memref<1x2x100xi32, #tpu.memory_space<hbm>> -> memref<2x100xi32, #tpu.memory_space<hbm>>
      tpu.enqueue_dma source(%dma_start3A_719 : memref<2x100xi32, #tpu.memory_space<hbm>>) target(%arg9 : memref<2x100xi32, #tpu.memory_space<vmem>>) target_semaphore(%arg22 : memref<!tpu.dma_semaphore, #tpu.memory_space<semaphore_mem>>)
      %add3A_720 = arith.constant 3 : i32
      %add3A_721 = arith.addi %add3A_563, %add3A_720 : i32
      %dma_wait3A_722 = arith.constant 0 : i32
      %dma_wait3A_723 = arith.constant 0 : i32
      %dma_wait3A_724 = tpu.memref_slice %arg8[%dma_wait3A_722, %dma_wait3A_723] : memref<2x100xi32, #tpu.memory_space<vmem>> -> memref<1x100xi32, #tpu.memory_space<vmem>>
      %dma_wait3A_725 = tpu.memref_squeeze %dma_wait3A_724 : memref<1x100xi32, #tpu.memory_space<vmem>> -> memref<100xi32, #tpu.memory_space<vmem>>
      %dma_wait3A_726 = arith.constant 0 : i32
      %dma_wait3A_727 = arith.constant 0 : i32
      %dma_wait3A_728 = tpu.memref_slice %arg2[%dma_wait3A_726, %dma_wait3A_727] : memref<10000x128xf32, #tpu.memory_space<hbm>> -> memref<10000x128xf32, #tpu.memory_space<hbm>>
      tpu.wait_indirect_dma semaphore(%arg15 : memref<!tpu.dma_semaphore, #tpu.memory_space<semaphore_mem>>) src(%dma_wait3A_728 : memref<10000x128xf32, #tpu.memory_space<hbm>>) dst(%arg10 : memref<100x128xf32, #tpu.memory_space<vmem>>)
      %dma_wait3A_729 = arith.constant 0 : i32
      %dma_wait3A_730 = arith.constant 0 : i32
      %dma_wait3A_731 = tpu.memref_slice %arg7[%dma_wait3A_729, %dma_wait3A_730] : memref<100x100xi32, #tpu.memory_space<vmem>> -> memref<1x100xi32, #tpu.memory_space<vmem>>
      %dma_wait3A_732 = tpu.memref_squeeze %dma_wait3A_731 : memref<1x100xi32, #tpu.memory_space<vmem>> -> memref<100xi32, #tpu.memory_space<vmem>>
      %dma_wait3A_733 = arith.constant 0 : i32
      %dma_wait3A_734 = arith.constant 0 : i32
      %dma_wait3A_735 = tpu.memref_slice %arg13[%dma_wait3A_733, %dma_wait3A_734] : memref<10112x128xf32, #tpu.memory_space<vmem_shared>> -> memref<10112x128xf32, #tpu.memory_space<vmem_shared>>
      tpu.wait_indirect_dma semaphore(%arg18 : memref<!tpu.dma_semaphore, #tpu.memory_space<semaphore_mem>>) src(%arg11 : memref<100x128xf32, #tpu.memory_space<vmem>>) dst(%dma_wait3A_735 : memref<10112x128xf32, #tpu.memory_space<vmem_shared>>)
      %dma_wait3A_736 = arith.constant 0 : i32
      %dma_wait3A_737 = arith.constant 0 : i32
      %dma_wait3A_738 = tpu.memref_slice %arg7[%dma_wait3A_736, %dma_wait3A_737] : memref<100x100xi32, #tpu.memory_space<vmem>> -> memref<1x100xi32, #tpu.memory_space<vmem>>
      %dma_wait3A_739 = tpu.memref_squeeze %dma_wait3A_738 : memref<1x100xi32, #tpu.memory_space<vmem>> -> memref<100xi32, #tpu.memory_space<vmem>>
      %dma_wait3A_740 = arith.constant 0 : i32
      %dma_wait3A_741 = arith.constant 0 : i32
      %dma_wait3A_742 = tpu.memref_slice %arg14[%dma_wait3A_740, %dma_wait3A_741] : memref<10112x16xf32, #tpu.memory_space<vmem_shared>> -> memref<10112x16xf32, #tpu.memory_space<vmem_shared>>
      tpu.wait_indirect_dma semaphore(%arg20 : memref<!tpu.dma_semaphore, #tpu.memory_space<semaphore_mem>>) src(%arg12 : memref<100x16xf32, #tpu.memory_space<vmem>>) dst(%dma_wait3A_742 : memref<10112x16xf32, #tpu.memory_space<vmem_shared>>)
      %dma_start3A_743 = arith.constant 1 : i32
      %dma_start3A_744 = arith.constant 0 : i32
      %dma_start3A_745 = tpu.memref_slice %arg8[%dma_start3A_743, %dma_start3A_744] : memref<2x100xi32, #tpu.memory_space<vmem>> -> memref<1x100xi32, #tpu.memory_space<vmem>>
      %dma_start3A_746 = tpu.memref_squeeze %dma_start3A_745 : memref<1x100xi32, #tpu.memory_space<vmem>> -> memref<100xi32, #tpu.memory_space<vmem>>
      %dma_start3A_747 = arith.constant 0 : i32
      %dma_start3A_748 = arith.constant 0 : i32
      %dma_start3A_749 = tpu.memref_slice %arg2[%dma_start3A_747, %dma_start3A_748] : memref<10000x128xf32, #tpu.memory_space<hbm>> -> memref<10000x128xf32, #tpu.memory_space<hbm>>
      tpu.enqueue_indirect_dma source(%dma_start3A_749 : memref<10000x128xf32, #tpu.memory_space<hbm>>) target(%arg11 : memref<100x128xf32, #tpu.memory_space<vmem>>) offsets(%dma_start3A_746 : memref<100xi32, #tpu.memory_space<vmem>>) semaphore(%arg16 : memref<!tpu.dma_semaphore, #tpu.memory_space<semaphore_mem>>)
      %dma_start3A_750 = arith.constant 0 : i32
      %dma_start3A_751 = tpu.memref_slice %arg7[%add3A_721, %dma_start3A_750] : memref<100x100xi32, #tpu.memory_space<vmem>> -> memref<1x100xi32, #tpu.memory_space<vmem>>
      %dma_start3A_752 = tpu.memref_squeeze %dma_start3A_751 : memref<1x100xi32, #tpu.memory_space<vmem>> -> memref<100xi32, #tpu.memory_space<vmem>>
      %dma_start3A_753 = arith.constant 0 : i32
      %dma_start3A_754 = arith.constant 0 : i32
      %dma_start3A_755 = tpu.memref_slice %arg13[%dma_start3A_753, %dma_start3A_754] : memref<10112x128xf32, #tpu.memory_space<vmem_shared>> -> memref<10112x128xf32, #tpu.memory_space<vmem_shared>>
      tpu.enqueue_indirect_dma source(%arg10 : memref<100x128xf32, #tpu.memory_space<vmem>>) target(%dma_start3A_755 : memref<10112x128xf32, #tpu.memory_space<vmem_shared>>) offsets(%dma_start3A_752 : memref<100xi32, #tpu.memory_space<vmem>>) semaphore(%arg17 : memref<!tpu.dma_semaphore, #tpu.memory_space<semaphore_mem>>) {add = true}
      %dma_start3A_756 = arith.constant 0 : i32
      %dma_start3A_757 = tpu.memref_slice %arg7[%add3A_721, %dma_start3A_756] : memref<100x100xi32, #tpu.memory_space<vmem>> -> memref<1x100xi32, #tpu.memory_space<vmem>>
      %dma_start3A_758 = tpu.memref_squeeze %dma_start3A_757 : memref<1x100xi32, #tpu.memory_space<vmem>> -> memref<100xi32, #tpu.memory_space<vmem>>
      %dma_start3A_759 = arith.constant 0 : i32
      %dma_start3A_760 = arith.constant 0 : i32
      %dma_start3A_761 = tpu.memref_slice %arg14[%dma_start3A_759, %dma_start3A_760] : memref<10112x16xf32, #tpu.memory_space<vmem_shared>> -> memref<10112x16xf32, #tpu.memory_space<vmem_shared>>
      tpu.enqueue_indirect_dma source(%arg12 : memref<100x16xf32, #tpu.memory_space<vmem>>) target(%dma_start3A_761 : memref<10112x16xf32, #tpu.memory_space<vmem_shared>>) offsets(%dma_start3A_758 : memref<100xi32, #tpu.memory_space<vmem>>) semaphore(%arg19 : memref<!tpu.dma_semaphore, #tpu.memory_space<semaphore_mem>>) {add = true}
    }
    %scan3A_396 = arith.constant 24 : i32
    %dma_wait3A_397 = arith.constant 0 : i32
    %dma_wait3A_398 = arith.constant 0 : i32
    %dma_wait3A_399 = tpu.memref_slice %arg8[%dma_wait3A_397, %dma_wait3A_398] : memref<2x100xi32, #tpu.memory_space<vmem>> -> memref<1x100xi32, #tpu.memory_space<vmem>>
    %dma_wait3A_400 = tpu.memref_squeeze %dma_wait3A_399 : memref<1x100xi32, #tpu.memory_space<vmem>> -> memref<100xi32, #tpu.memory_space<vmem>>
    %dma_wait3A_401 = arith.constant 0 : i32
    %dma_wait3A_402 = arith.constant 0 : i32
    %dma_wait3A_403 = tpu.memref_slice %arg2[%dma_wait3A_401, %dma_wait3A_402] : memref<10000x128xf32, #tpu.memory_space<hbm>> -> memref<10000x128xf32, #tpu.memory_space<hbm>>
    tpu.wait_indirect_dma semaphore(%arg16 : memref<!tpu.dma_semaphore, #tpu.memory_space<semaphore_mem>>) src(%dma_wait3A_403 : memref<10000x128xf32, #tpu.memory_space<hbm>>) dst(%arg11 : memref<100x128xf32, #tpu.memory_space<vmem>>)
    %dma_wait3A_404 = arith.constant 0 : i32
    %dma_wait3A_405 = arith.constant 0 : i32
    %dma_wait3A_406 = tpu.memref_slice %arg7[%dma_wait3A_404, %dma_wait3A_405] : memref<100x100xi32, #tpu.memory_space<vmem>> -> memref<1x100xi32, #tpu.memory_space<vmem>>
    %dma_wait3A_407 = tpu.memref_squeeze %dma_wait3A_406 : memref<1x100xi32, #tpu.memory_space<vmem>> -> memref<100xi32, #tpu.memory_space<vmem>>
    %dma_wait3A_408 = arith.constant 0 : i32
    %dma_wait3A_409 = arith.constant 0 : i32
    %dma_wait3A_410 = tpu.memref_slice %arg13[%dma_wait3A_408, %dma_wait3A_409] : memref<10112x128xf32, #tpu.memory_space<vmem_shared>> -> memref<10112x128xf32, #tpu.memory_space<vmem_shared>>
    tpu.wait_indirect_dma semaphore(%arg17 : memref<!tpu.dma_semaphore, #tpu.memory_space<semaphore_mem>>) src(%arg10 : memref<100x128xf32, #tpu.memory_space<vmem>>) dst(%dma_wait3A_410 : memref<10112x128xf32, #tpu.memory_space<vmem_shared>>)
    %dma_wait3A_411 = arith.constant 0 : i32
    %dma_wait3A_412 = arith.constant 0 : i32
    %dma_wait3A_413 = tpu.memref_slice %arg7[%dma_wait3A_411, %dma_wait3A_412] : memref<100x100xi32, #tpu.memory_space<vmem>> -> memref<1x100xi32, #tpu.memory_space<vmem>>
    %dma_wait3A_414 = tpu.memref_squeeze %dma_wait3A_413 : memref<1x100xi32, #tpu.memory_space<vmem>> -> memref<100xi32, #tpu.memory_space<vmem>>
    %dma_wait3A_415 = arith.constant 0 : i32
    %dma_wait3A_416 = arith.constant 0 : i32
    %dma_wait3A_417 = tpu.memref_slice %arg14[%dma_wait3A_415, %dma_wait3A_416] : memref<10112x16xf32, #tpu.memory_space<vmem_shared>> -> memref<10112x16xf32, #tpu.memory_space<vmem_shared>>
    tpu.wait_indirect_dma semaphore(%arg19 : memref<!tpu.dma_semaphore, #tpu.memory_space<semaphore_mem>>) src(%arg12 : memref<100x16xf32, #tpu.memory_space<vmem>>) dst(%dma_wait3A_417 : memref<10112x16xf32, #tpu.memory_space<vmem_shared>>)
    %dma_wait3A_418 = arith.constant 0 : i32
    %dma_wait3A_419 = arith.constant 0 : i32
    %dma_wait3A_420 = tpu.memref_slice %arg3[%add3A, %dma_wait3A_418, %dma_wait3A_419] : memref<32x100x100xi32, #tpu.memory_space<hbm>> -> memref<1x2x100xi32, #tpu.memory_space<hbm>>
    %dma_wait3A_421 = tpu.memref_squeeze %dma_wait3A_420 : memref<1x2x100xi32, #tpu.memory_space<hbm>> -> memref<2x100xi32, #tpu.memory_space<hbm>>
    %dma_wait3A_422 = arith.constant 0 : i32
    %dma_wait3A_423 = arith.constant 0 : i32
    %dma_wait3A_424 = tpu.memref_slice %arg3[%add3A, %dma_wait3A_422, %dma_wait3A_423] : memref<32x100x100xi32, #tpu.memory_space<hbm>> -> memref<1x2x100xi32, #tpu.memory_space<hbm>>
    %dma_wait3A_425 = tpu.memref_squeeze %dma_wait3A_424 : memref<1x2x100xi32, #tpu.memory_space<hbm>> -> memref<2x100xi32, #tpu.memory_space<hbm>>
    tpu.wait_dma2 semaphore(%arg22 : memref<!tpu.dma_semaphore, #tpu.memory_space<semaphore_mem>>) src(%dma_wait3A_425 : memref<2x100xi32, #tpu.memory_space<hbm>>) dst(%arg9 : memref<2x100xi32, #tpu.memory_space<vmem>>)
    %dma_start3A_426 = arith.constant 0 : i32
    %dma_start3A_427 = arith.constant 0 : i32
    %dma_start3A_428 = tpu.memref_slice %arg9[%dma_start3A_426, %dma_start3A_427] : memref<2x100xi32, #tpu.memory_space<vmem>> -> memref<1x100xi32, #tpu.memory_space<vmem>>
    %dma_start3A_429 = tpu.memref_squeeze %dma_start3A_428 : memref<1x100xi32, #tpu.memory_space<vmem>> -> memref<100xi32, #tpu.memory_space<vmem>>
    %dma_start3A_430 = arith.constant 0 : i32
    %dma_start3A_431 = arith.constant 0 : i32
    %dma_start3A_432 = tpu.memref_slice %arg2[%dma_start3A_430, %dma_start3A_431] : memref<10000x128xf32, #tpu.memory_space<hbm>> -> memref<10000x128xf32, #tpu.memory_space<hbm>>
    tpu.enqueue_indirect_dma source(%dma_start3A_432 : memref<10000x128xf32, #tpu.memory_space<hbm>>) target(%arg10 : memref<100x128xf32, #tpu.memory_space<vmem>>) offsets(%dma_start3A_429 : memref<100xi32, #tpu.memory_space<vmem>>) semaphore(%arg15 : memref<!tpu.dma_semaphore, #tpu.memory_space<semaphore_mem>>)
    %dma_start3A_433 = arith.constant 97 : i32
    %dma_start3A_434 = arith.constant 0 : i32
    %dma_start3A_435 = tpu.memref_slice %arg7[%dma_start3A_433, %dma_start3A_434] : memref<100x100xi32, #tpu.memory_space<vmem>> -> memref<1x100xi32, #tpu.memory_space<vmem>>
    %dma_start3A_436 = tpu.memref_squeeze %dma_start3A_435 : memref<1x100xi32, #tpu.memory_space<vmem>> -> memref<100xi32, #tpu.memory_space<vmem>>
    %dma_start3A_437 = arith.constant 0 : i32
    %dma_start3A_438 = arith.constant 0 : i32
    %dma_start3A_439 = tpu.memref_slice %arg13[%dma_start3A_437, %dma_start3A_438] : memref<10112x128xf32, #tpu.memory_space<vmem_shared>> -> memref<10112x128xf32, #tpu.memory_space<vmem_shared>>
    tpu.enqueue_indirect_dma source(%arg11 : memref<100x128xf32, #tpu.memory_space<vmem>>) target(%dma_start3A_439 : memref<10112x128xf32, #tpu.memory_space<vmem_shared>>) offsets(%dma_start3A_436 : memref<100xi32, #tpu.memory_space<vmem>>) semaphore(%arg18 : memref<!tpu.dma_semaphore, #tpu.memory_space<semaphore_mem>>) {add = true}
    %dma_start3A_440 = arith.constant 97 : i32
    %dma_start3A_441 = arith.constant 0 : i32
    %dma_start3A_442 = tpu.memref_slice %arg7[%dma_start3A_440, %dma_start3A_441] : memref<100x100xi32, #tpu.memory_space<vmem>> -> memref<1x100xi32, #tpu.memory_space<vmem>>
    %dma_start3A_443 = tpu.memref_squeeze %dma_start3A_442 : memref<1x100xi32, #tpu.memory_space<vmem>> -> memref<100xi32, #tpu.memory_space<vmem>>
    %dma_start3A_444 = arith.constant 0 : i32
    %dma_start3A_445 = arith.constant 0 : i32
    %dma_start3A_446 = tpu.memref_slice %arg14[%dma_start3A_444, %dma_start3A_445] : memref<10112x16xf32, #tpu.memory_space<vmem_shared>> -> memref<10112x16xf32, #tpu.memory_space<vmem_shared>>
    tpu.enqueue_indirect_dma source(%arg12 : memref<100x16xf32, #tpu.memory_space<vmem>>) target(%dma_start3A_446 : memref<10112x16xf32, #tpu.memory_space<vmem_shared>>) offsets(%dma_start3A_443 : memref<100xi32, #tpu.memory_space<vmem>>) semaphore(%arg20 : memref<!tpu.dma_semaphore, #tpu.memory_space<semaphore_mem>>) {add = true}
    %dma_wait3A_447 = arith.constant 0 : i32
    %dma_wait3A_448 = arith.constant 0 : i32
    %dma_wait3A_449 = tpu.memref_slice %arg8[%dma_wait3A_447, %dma_wait3A_448] : memref<2x100xi32, #tpu.memory_space<vmem>> -> memref<1x100xi32, #tpu.memory_space<vmem>>
    %dma_wait3A_450 = tpu.memref_squeeze %dma_wait3A_449 : memref<1x100xi32, #tpu.memory_space<vmem>> -> memref<100xi32, #tpu.memory_space<vmem>>
    %dma_wait3A_451 = arith.constant 0 : i32
    %dma_wait3A_452 = arith.constant 0 : i32
    %dma_wait3A_453 = tpu.memref_slice %arg2[%dma_wait3A_451, %dma_wait3A_452] : memref<10000x128xf32, #tpu.memory_space<hbm>> -> memref<10000x128xf32, #tpu.memory_space<hbm>>
    tpu.wait_indirect_dma semaphore(%arg15 : memref<!tpu.dma_semaphore, #tpu.memory_space<semaphore_mem>>) src(%dma_wait3A_453 : memref<10000x128xf32, #tpu.memory_space<hbm>>) dst(%arg10 : memref<100x128xf32, #tpu.memory_space<vmem>>)
    %dma_wait3A_454 = arith.constant 0 : i32
    %dma_wait3A_455 = arith.constant 0 : i32
    %dma_wait3A_456 = tpu.memref_slice %arg7[%dma_wait3A_454, %dma_wait3A_455] : memref<100x100xi32, #tpu.memory_space<vmem>> -> memref<1x100xi32, #tpu.memory_space<vmem>>
    %dma_wait3A_457 = tpu.memref_squeeze %dma_wait3A_456 : memref<1x100xi32, #tpu.memory_space<vmem>> -> memref<100xi32, #tpu.memory_space<vmem>>
    %dma_wait3A_458 = arith.constant 0 : i32
    %dma_wait3A_459 = arith.constant 0 : i32
    %dma_wait3A_460 = tpu.memref_slice %arg13[%dma_wait3A_458, %dma_wait3A_459] : memref<10112x128xf32, #tpu.memory_space<vmem_shared>> -> memref<10112x128xf32, #tpu.memory_space<vmem_shared>>
    tpu.wait_indirect_dma semaphore(%arg18 : memref<!tpu.dma_semaphore, #tpu.memory_space<semaphore_mem>>) src(%arg11 : memref<100x128xf32, #tpu.memory_space<vmem>>) dst(%dma_wait3A_460 : memref<10112x128xf32, #tpu.memory_space<vmem_shared>>)
    %dma_wait3A_461 = arith.constant 0 : i32
    %dma_wait3A_462 = arith.constant 0 : i32
    %dma_wait3A_463 = tpu.memref_slice %arg7[%dma_wait3A_461, %dma_wait3A_462] : memref<100x100xi32, #tpu.memory_space<vmem>> -> memref<1x100xi32, #tpu.memory_space<vmem>>
    %dma_wait3A_464 = tpu.memref_squeeze %dma_wait3A_463 : memref<1x100xi32, #tpu.memory_space<vmem>> -> memref<100xi32, #tpu.memory_space<vmem>>
    %dma_wait3A_465 = arith.constant 0 : i32
    %dma_wait3A_466 = arith.constant 0 : i32
    %dma_wait3A_467 = tpu.memref_slice %arg14[%dma_wait3A_465, %dma_wait3A_466] : memref<10112x16xf32, #tpu.memory_space<vmem_shared>> -> memref<10112x16xf32, #tpu.memory_space<vmem_shared>>
    tpu.wait_indirect_dma semaphore(%arg20 : memref<!tpu.dma_semaphore, #tpu.memory_space<semaphore_mem>>) src(%arg12 : memref<100x16xf32, #tpu.memory_space<vmem>>) dst(%dma_wait3A_467 : memref<10112x16xf32, #tpu.memory_space<vmem_shared>>)
    %dma_start3A_468 = arith.constant 1 : i32
    %dma_start3A_469 = arith.constant 0 : i32
    %dma_start3A_470 = tpu.memref_slice %arg9[%dma_start3A_468, %dma_start3A_469] : memref<2x100xi32, #tpu.memory_space<vmem>> -> memref<1x100xi32, #tpu.memory_space<vmem>>
    %dma_start3A_471 = tpu.memref_squeeze %dma_start3A_470 : memref<1x100xi32, #tpu.memory_space<vmem>> -> memref<100xi32, #tpu.memory_space<vmem>>
    %dma_start3A_472 = arith.constant 0 : i32
    %dma_start3A_473 = arith.constant 0 : i32
    %dma_start3A_474 = tpu.memref_slice %arg2[%dma_start3A_472, %dma_start3A_473] : memref<10000x128xf32, #tpu.memory_space<hbm>> -> memref<10000x128xf32, #tpu.memory_space<hbm>>
    tpu.enqueue_indirect_dma source(%dma_start3A_474 : memref<10000x128xf32, #tpu.memory_space<hbm>>) target(%arg11 : memref<100x128xf32, #tpu.memory_space<vmem>>) offsets(%dma_start3A_471 : memref<100xi32, #tpu.memory_space<vmem>>) semaphore(%arg16 : memref<!tpu.dma_semaphore, #tpu.memory_space<semaphore_mem>>)
    %dma_start3A_475 = arith.constant 98 : i32
    %dma_start3A_476 = arith.constant 0 : i32
    %dma_start3A_477 = tpu.memref_slice %arg7[%dma_start3A_475, %dma_start3A_476] : memref<100x100xi32, #tpu.memory_space<vmem>> -> memref<1x100xi32, #tpu.memory_space<vmem>>
    %dma_start3A_478 = tpu.memref_squeeze %dma_start3A_477 : memref<1x100xi32, #tpu.memory_space<vmem>> -> memref<100xi32, #tpu.memory_space<vmem>>
    %dma_start3A_479 = arith.constant 0 : i32
    %dma_start3A_480 = arith.constant 0 : i32
    %dma_start3A_481 = tpu.memref_slice %arg13[%dma_start3A_479, %dma_start3A_480] : memref<10112x128xf32, #tpu.memory_space<vmem_shared>> -> memref<10112x128xf32, #tpu.memory_space<vmem_shared>>
    tpu.enqueue_indirect_dma source(%arg10 : memref<100x128xf32, #tpu.memory_space<vmem>>) target(%dma_start3A_481 : memref<10112x128xf32, #tpu.memory_space<vmem_shared>>) offsets(%dma_start3A_478 : memref<100xi32, #tpu.memory_space<vmem>>) semaphore(%arg17 : memref<!tpu.dma_semaphore, #tpu.memory_space<semaphore_mem>>) {add = true}
    %dma_start3A_482 = arith.constant 98 : i32
    %dma_start3A_483 = arith.constant 0 : i32
    %dma_start3A_484 = tpu.memref_slice %arg7[%dma_start3A_482, %dma_start3A_483] : memref<100x100xi32, #tpu.memory_space<vmem>> -> memref<1x100xi32, #tpu.memory_space<vmem>>
    %dma_start3A_485 = tpu.memref_squeeze %dma_start3A_484 : memref<1x100xi32, #tpu.memory_space<vmem>> -> memref<100xi32, #tpu.memory_space<vmem>>
    %dma_start3A_486 = arith.constant 0 : i32
    %dma_start3A_487 = arith.constant 0 : i32
    %dma_start3A_488 = tpu.memref_slice %arg14[%dma_start3A_486, %dma_start3A_487] : memref<10112x16xf32, #tpu.memory_space<vmem_shared>> -> memref<10112x16xf32, #tpu.memory_space<vmem_shared>>
    tpu.enqueue_indirect_dma source(%arg12 : memref<100x16xf32, #tpu.memory_space<vmem>>) target(%dma_start3A_488 : memref<10112x16xf32, #tpu.memory_space<vmem_shared>>) offsets(%dma_start3A_485 : memref<100xi32, #tpu.memory_space<vmem>>) semaphore(%arg19 : memref<!tpu.dma_semaphore, #tpu.memory_space<semaphore_mem>>) {add = true}
    %dma_wait3A_489 = arith.constant 0 : i32
    %dma_wait3A_490 = arith.constant 0 : i32
    %dma_wait3A_491 = tpu.memref_slice %arg8[%dma_wait3A_489, %dma_wait3A_490] : memref<2x100xi32, #tpu.memory_space<vmem>> -> memref<1x100xi32, #tpu.memory_space<vmem>>
    %dma_wait3A_492 = tpu.memref_squeeze %dma_wait3A_491 : memref<1x100xi32, #tpu.memory_space<vmem>> -> memref<100xi32, #tpu.memory_space<vmem>>
    %dma_wait3A_493 = arith.constant 0 : i32
    %dma_wait3A_494 = arith.constant 0 : i32
    %dma_wait3A_495 = tpu.memref_slice %arg2[%dma_wait3A_493, %dma_wait3A_494] : memref<10000x128xf32, #tpu.memory_space<hbm>> -> memref<10000x128xf32, #tpu.memory_space<hbm>>
    tpu.wait_indirect_dma semaphore(%arg16 : memref<!tpu.dma_semaphore, #tpu.memory_space<semaphore_mem>>) src(%dma_wait3A_495 : memref<10000x128xf32, #tpu.memory_space<hbm>>) dst(%arg11 : memref<100x128xf32, #tpu.memory_space<vmem>>)
    %dma_wait3A_496 = arith.constant 0 : i32
    %dma_wait3A_497 = arith.constant 0 : i32
    %dma_wait3A_498 = tpu.memref_slice %arg7[%dma_wait3A_496, %dma_wait3A_497] : memref<100x100xi32, #tpu.memory_space<vmem>> -> memref<1x100xi32, #tpu.memory_space<vmem>>
    %dma_wait3A_499 = tpu.memref_squeeze %dma_wait3A_498 : memref<1x100xi32, #tpu.memory_space<vmem>> -> memref<100xi32, #tpu.memory_space<vmem>>
    %dma_wait3A_500 = arith.constant 0 : i32
    %dma_wait3A_501 = arith.constant 0 : i32
    %dma_wait3A_502 = tpu.memref_slice %arg13[%dma_wait3A_500, %dma_wait3A_501] : memref<10112x128xf32, #tpu.memory_space<vmem_shared>> -> memref<10112x128xf32, #tpu.memory_space<vmem_shared>>
    tpu.wait_indirect_dma semaphore(%arg17 : memref<!tpu.dma_semaphore, #tpu.memory_space<semaphore_mem>>) src(%arg10 : memref<100x128xf32, #tpu.memory_space<vmem>>) dst(%dma_wait3A_502 : memref<10112x128xf32, #tpu.memory_space<vmem_shared>>)
    %dma_wait3A_503 = arith.constant 0 : i32
    %dma_wait3A_504 = arith.constant 0 : i32
    %dma_wait3A_505 = tpu.memref_slice %arg7[%dma_wait3A_503, %dma_wait3A_504] : memref<100x100xi32, #tpu.memory_space<vmem>> -> memref<1x100xi32, #tpu.memory_space<vmem>>
    %dma_wait3A_506 = tpu.memref_squeeze %dma_wait3A_505 : memref<1x100xi32, #tpu.memory_space<vmem>> -> memref<100xi32, #tpu.memory_space<vmem>>
    %dma_wait3A_507 = arith.constant 0 : i32
    %dma_wait3A_508 = arith.constant 0 : i32
    %dma_wait3A_509 = tpu.memref_slice %arg14[%dma_wait3A_507, %dma_wait3A_508] : memref<10112x16xf32, #tpu.memory_space<vmem_shared>> -> memref<10112x16xf32, #tpu.memory_space<vmem_shared>>
    tpu.wait_indirect_dma semaphore(%arg19 : memref<!tpu.dma_semaphore, #tpu.memory_space<semaphore_mem>>) src(%arg12 : memref<100x16xf32, #tpu.memory_space<vmem>>) dst(%dma_wait3A_509 : memref<10112x16xf32, #tpu.memory_space<vmem_shared>>)
    %dma_start3A_510 = arith.constant 99 : i32
    %dma_start3A_511 = arith.constant 0 : i32
    %dma_start3A_512 = tpu.memref_slice %arg7[%dma_start3A_510, %dma_start3A_511] : memref<100x100xi32, #tpu.memory_space<vmem>> -> memref<1x100xi32, #tpu.memory_space<vmem>>
    %dma_start3A_513 = tpu.memref_squeeze %dma_start3A_512 : memref<1x100xi32, #tpu.memory_space<vmem>> -> memref<100xi32, #tpu.memory_space<vmem>>
    %dma_start3A_514 = arith.constant 0 : i32
    %dma_start3A_515 = arith.constant 0 : i32
    %dma_start3A_516 = tpu.memref_slice %arg13[%dma_start3A_514, %dma_start3A_515] : memref<10112x128xf32, #tpu.memory_space<vmem_shared>> -> memref<10112x128xf32, #tpu.memory_space<vmem_shared>>
    tpu.enqueue_indirect_dma source(%arg11 : memref<100x128xf32, #tpu.memory_space<vmem>>) target(%dma_start3A_516 : memref<10112x128xf32, #tpu.memory_space<vmem_shared>>) offsets(%dma_start3A_513 : memref<100xi32, #tpu.memory_space<vmem>>) semaphore(%arg18 : memref<!tpu.dma_semaphore, #tpu.memory_space<semaphore_mem>>) {add = true}
    %dma_start3A_517 = arith.constant 99 : i32
    %dma_start3A_518 = arith.constant 0 : i32
    %dma_start3A_519 = tpu.memref_slice %arg7[%dma_start3A_517, %dma_start3A_518] : memref<100x100xi32, #tpu.memory_space<vmem>> -> memref<1x100xi32, #tpu.memory_space<vmem>>
    %dma_start3A_520 = tpu.memref_squeeze %dma_start3A_519 : memref<1x100xi32, #tpu.memory_space<vmem>> -> memref<100xi32, #tpu.memory_space<vmem>>
    %dma_start3A_521 = arith.constant 0 : i32
    %dma_start3A_522 = arith.constant 0 : i32
    %dma_start3A_523 = tpu.memref_slice %arg14[%dma_start3A_521, %dma_start3A_522] : memref<10112x16xf32, #tpu.memory_space<vmem_shared>> -> memref<10112x16xf32, #tpu.memory_space<vmem_shared>>
    tpu.enqueue_indirect_dma source(%arg12 : memref<100x16xf32, #tpu.memory_space<vmem>>) target(%dma_start3A_523 : memref<10112x16xf32, #tpu.memory_space<vmem_shared>>) offsets(%dma_start3A_520 : memref<100xi32, #tpu.memory_space<vmem>>) semaphore(%arg20 : memref<!tpu.dma_semaphore, #tpu.memory_space<semaphore_mem>>) {add = true}
    %dma_wait3A_524 = arith.constant 0 : i32
    %dma_wait3A_525 = arith.constant 0 : i32
    %dma_wait3A_526 = tpu.memref_slice %arg7[%dma_wait3A_524, %dma_wait3A_525] : memref<100x100xi32, #tpu.memory_space<vmem>> -> memref<1x100xi32, #tpu.memory_space<vmem>>
    %dma_wait3A_527 = tpu.memref_squeeze %dma_wait3A_526 : memref<1x100xi32, #tpu.memory_space<vmem>> -> memref<100xi32, #tpu.memory_space<vmem>>
    %dma_wait3A_528 = arith.constant 0 : i32
    %dma_wait3A_529 = arith.constant 0 : i32
    %dma_wait3A_530 = tpu.memref_slice %arg13[%dma_wait3A_528, %dma_wait3A_529] : memref<10112x128xf32, #tpu.memory_space<vmem_shared>> -> memref<10112x128xf32, #tpu.memory_space<vmem_shared>>
    tpu.wait_indirect_dma semaphore(%arg18 : memref<!tpu.dma_semaphore, #tpu.memory_space<semaphore_mem>>) src(%arg11 : memref<100x128xf32, #tpu.memory_space<vmem>>) dst(%dma_wait3A_530 : memref<10112x128xf32, #tpu.memory_space<vmem_shared>>)
    %dma_wait3A_531 = arith.constant 0 : i32
    %dma_wait3A_532 = arith.constant 0 : i32
    %dma_wait3A_533 = tpu.memref_slice %arg7[%dma_wait3A_531, %dma_wait3A_532] : memref<100x100xi32, #tpu.memory_space<vmem>> -> memref<1x100xi32, #tpu.memory_space<vmem>>
    %dma_wait3A_534 = tpu.memref_squeeze %dma_wait3A_533 : memref<1x100xi32, #tpu.memory_space<vmem>> -> memref<100xi32, #tpu.memory_space<vmem>>
    %dma_wait3A_535 = arith.constant 0 : i32
    %dma_wait3A_536 = arith.constant 0 : i32
    %dma_wait3A_537 = tpu.memref_slice %arg14[%dma_wait3A_535, %dma_wait3A_536] : memref<10112x16xf32, #tpu.memory_space<vmem_shared>> -> memref<10112x16xf32, #tpu.memory_space<vmem_shared>>
    tpu.wait_indirect_dma semaphore(%arg20 : memref<!tpu.dma_semaphore, #tpu.memory_space<semaphore_mem>>) src(%arg12 : memref<100x16xf32, #tpu.memory_space<vmem>>) dst(%dma_wait3A_537 : memref<10112x16xf32, #tpu.memory_space<vmem_shared>>)
    %barrier3A_538 = arith.constant 0 : index
    tpu.barrier barrier_id(%barrier3A_538)
    %dma_start3A_539 = arith.constant 0 : i32
    %dma_start3A_540 = tpu.memref_slice %arg5[%arg0, %multiple_of3A, %dma_start3A_539] : memref<2x10112x128xf32, #tpu.memory_space<hbm>> -> memref<1x632x128xf32, #tpu.memory_space<hbm>>
    %dma_start3A_541 = tpu.memref_squeeze %dma_start3A_540 : memref<1x632x128xf32, #tpu.memory_space<hbm>> -> memref<632x128xf32, #tpu.memory_space<hbm>>
    %dma_start3A_542 = arith.constant 0 : i32
    %dma_start3A_543 = tpu.memref_slice %arg13[%multiple_of3A, %dma_start3A_542] : memref<10112x128xf32, #tpu.memory_space<vmem_shared>> -> memref<632x128xf32, #tpu.memory_space<vmem_shared>>
    tpu.enqueue_dma source(%dma_start3A_543 : memref<632x128xf32, #tpu.memory_space<vmem_shared>>) target(%dma_start3A_541 : memref<632x128xf32, #tpu.memory_space<hbm>>) target_semaphore(%arg23 : memref<!tpu.dma_semaphore, #tpu.memory_space<semaphore_mem>>)
    %dma_start3A_544 = arith.constant 0 : i32
    %dma_start3A_545 = tpu.memref_slice %arg6[%arg0, %multiple_of3A, %dma_start3A_544] : memref<2x10112x16xf32, #tpu.memory_space<hbm>> -> memref<1x632x16xf32, #tpu.memory_space<hbm>>
    %dma_start3A_546 = tpu.memref_squeeze %dma_start3A_545 : memref<1x632x16xf32, #tpu.memory_space<hbm>> -> memref<632x16xf32, #tpu.memory_space<hbm>>
    %dma_start3A_547 = arith.constant 0 : i32
    %dma_start3A_548 = tpu.memref_slice %arg14[%multiple_of3A, %dma_start3A_547] : memref<10112x16xf32, #tpu.memory_space<vmem_shared>> -> memref<632x16xf32, #tpu.memory_space<vmem_shared>>
    tpu.enqueue_dma source(%dma_start3A_548 : memref<632x16xf32, #tpu.memory_space<vmem_shared>>) target(%dma_start3A_546 : memref<632x16xf32, #tpu.memory_space<hbm>>) target_semaphore(%arg23 : memref<!tpu.dma_semaphore, #tpu.memory_space<semaphore_mem>>)
    %dma_wait3A_549 = arith.constant 0 : i32
    %dma_wait3A_550 = tpu.memref_slice %arg5[%arg0, %multiple_of3A, %dma_wait3A_549] : memref<2x10112x128xf32, #tpu.memory_space<hbm>> -> memref<1x632x128xf32, #tpu.memory_space<hbm>>
    %dma_wait3A_551 = tpu.memref_squeeze %dma_wait3A_550 : memref<1x632x128xf32, #tpu.memory_space<hbm>> -> memref<632x128xf32, #tpu.memory_space<hbm>>
    %dma_wait3A_552 = arith.constant 0 : i32
    %dma_wait3A_553 = tpu.memref_slice %arg13[%multiple_of3A, %dma_wait3A_552] : memref<10112x128xf32, #tpu.memory_space<vmem_shared>> -> memref<632x128xf32, #tpu.memory_space<vmem_shared>>
    tpu.wait_dma2 semaphore(%arg23 : memref<!tpu.dma_semaphore, #tpu.memory_space<semaphore_mem>>) src(%dma_wait3A_553 : memref<632x128xf32, #tpu.memory_space<vmem_shared>>) dst(%dma_wait3A_551 : memref<632x128xf32, #tpu.memory_space<hbm>>)
    %dma_wait3A_554 = arith.constant 0 : i32
    %dma_wait3A_555 = tpu.memref_slice %arg6[%arg0, %multiple_of3A, %dma_wait3A_554] : memref<2x10112x16xf32, #tpu.memory_space<hbm>> -> memref<1x632x16xf32, #tpu.memory_space<hbm>>
    %dma_wait3A_556 = tpu.memref_squeeze %dma_wait3A_555 : memref<1x632x16xf32, #tpu.memory_space<hbm>> -> memref<632x16xf32, #tpu.memory_space<hbm>>
    %dma_wait3A_557 = arith.constant 0 : i32
    %dma_wait3A_558 = tpu.memref_slice %arg14[%multiple_of3A, %dma_wait3A_557] : memref<10112x16xf32, #tpu.memory_space<vmem_shared>> -> memref<632x16xf32, #tpu.memory_space<vmem_shared>>
    tpu.wait_dma2 semaphore(%arg23 : memref<!tpu.dma_semaphore, #tpu.memory_space<semaphore_mem>>) src(%dma_wait3A_558 : memref<632x16xf32, #tpu.memory_space<vmem_shared>>) dst(%dma_wait3A_556 : memref<632x16xf32, #tpu.memory_space<hbm>>)
    return
  }
}

module attributes {stable_mosaic.version = 14 : i64} {
  func.func @body(%arg0: i32, %arg1: memref<2000x128xf32, #tpu.memory_space<vmem>>, %arg2: memref<128x128xf32, #tpu.memory_space<vmem>>, %arg3: memref<128x128xf32, #tpu.memory_space<vmem>>, %arg4: memref<1x128xf32, #tpu.memory_space<vmem>>, %arg5: memref<1x2000x128xf32, #tpu.memory_space<vmem>>, %arg6: memref<1x2000x128xf32, #tpu.memory_space<vmem>>, %arg7: memref<1x2000x16xf32, #tpu.memory_space<vmem>>, %arg8: memref<1x2000x16xf32, #tpu.memory_space<vmem>>, %arg9: memref<2000x128xf32, #tpu.memory_space<vmem>>) attributes {dimension_semantics = [#tpu.dimension_semantics<arbitrary>], iteration_bounds = array<i64: 5>, scalar_prefetch = 0 : i64, scratch_operands = 0 : i64, tpu.core_type = #tpu.core_type<tc>, window_params = [{transform_indices = @transform_0, window_bounds = array<i64: 2000, 128>}, {pipeline_mode = #tpu.pipeline_mode<synchronous>, transform_indices = @transform_1, window_bounds = array<i64: 128, 128>}, {pipeline_mode = #tpu.pipeline_mode<synchronous>, transform_indices = @transform_2, window_bounds = array<i64: 128, 128>}, {pipeline_mode = #tpu.pipeline_mode<synchronous>, transform_indices = @transform_3, window_bounds = array<i64: 1, 128>}, {transform_indices = @transform_4, window_bounds = array<i64: 1, 2000, 128>}, {transform_indices = @transform_5, window_bounds = array<i64: 1, 2000, 128>}, {transform_indices = @transform_6, window_bounds = array<i64: 1, 2000, 16>}, {transform_indices = @transform_7, window_bounds = array<i64: 1, 2000, 16>}, {transform_indices = @transform_8, window_bounds = array<i64: 2000, 128>}]} {
    %get3A = arith.constant 0 : index
    %get3A_0 = arith.constant 0 : index
    %get3A_1 = arith.constant 0 : index
    %get3A_2 = vector.load %arg7[%get3A, %get3A_0, %get3A_1] : memref<1x2000x16xf32, #tpu.memory_space<vmem>>, vector<1x2000x16xf32>
    %get3A_3 = vector.shape_cast %get3A_2 : vector<1x2000x16xf32> to vector<2000x16xf32>
    %get3A_4 = arith.constant 0 : index
    %get3A_5 = arith.constant 0 : index
    %get3A_6 = arith.constant 0 : index
    %get3A_7 = vector.load %arg8[%get3A_4, %get3A_5, %get3A_6] : memref<1x2000x16xf32, #tpu.memory_space<vmem>>, vector<1x2000x16xf32>
    %get3A_8 = vector.shape_cast %get3A_7 : vector<1x2000x16xf32> to vector<2000x16xf32>
    %add3A = arith.addf %get3A_3, %get3A_8 : vector<2000x16xf32>
    %slice3A = vector.extract_strided_slice %add3A {offsets = [0, 0], sizes = [2000, 1], strides = [1, 1]} : vector<2000x16xf32> to vector<2000x1xf32>
    %max3A = arith.constant 1.000000e+00 : f32
    %max3A_9 = vector.broadcast %max3A : f32 to vector<2000x1xf32>
    %max3A_10 = arith.maximumf %slice3A, %max3A_9 : vector<2000x1xf32>
    %get3A_11 = arith.constant 0 : index
    %get3A_12 = arith.constant 0 : index
    %get3A_13 = arith.constant 0 : index
    %get3A_14 = vector.load %arg5[%get3A_11, %get3A_12, %get3A_13] : memref<1x2000x128xf32, #tpu.memory_space<vmem>>, vector<1x2000x128xf32>
    %get3A_15 = vector.shape_cast %get3A_14 : vector<1x2000x128xf32> to vector<2000x128xf32>
    %get3A_16 = arith.constant 0 : index
    %get3A_17 = arith.constant 0 : index
    %get3A_18 = arith.constant 0 : index
    %get3A_19 = vector.load %arg6[%get3A_16, %get3A_17, %get3A_18] : memref<1x2000x128xf32, #tpu.memory_space<vmem>>, vector<1x2000x128xf32>
    %get3A_20 = vector.shape_cast %get3A_19 : vector<1x2000x128xf32> to vector<2000x128xf32>
    %add3A_21 = arith.addf %get3A_15, %get3A_20 : vector<2000x128xf32>
    %div3A = vector.broadcast %max3A_10 : vector<2000x1xf32> to vector<2000x128xf32>
    %div3A_22 = arith.divf %add3A_21, %div3A : vector<2000x128xf32>
    %get3A_23 = arith.constant 0 : index
    %get3A_24 = arith.constant 0 : index
    %get3A_25 = vector.load %arg1[%get3A_23, %get3A_24] : memref<2000x128xf32, #tpu.memory_space<vmem>>, vector<2000x128xf32>
    %get3A_26 = arith.constant 0 : index
    %get3A_27 = arith.constant 0 : index
    %get3A_28 = vector.load %arg2[%get3A_26, %get3A_27] : memref<128x128xf32, #tpu.memory_space<vmem>>, vector<128x128xf32>
    %dot_general3A = arith.constant dense<0.000000e+00> : vector<2000x128xf32>
    %dot_general3A_29 = tpu.matmul %get3A_25, %get3A_28, %dot_general3A {dimension_numbers = #tpu.dot_dimension_numbers<[1], [0], [0], [1], [0, 0, 1, 1], [], []>, transpose_lhs_hint = false} : vector<2000x128xf32>, vector<128x128xf32>, vector<2000x128xf32> -> vector<2000x128xf32>
    %get3A_30 = arith.constant 0 : index
    %get3A_31 = arith.constant 0 : index
    %get3A_32 = vector.load %arg3[%get3A_30, %get3A_31] : memref<128x128xf32, #tpu.memory_space<vmem>>, vector<128x128xf32>
    %dot_general3A_33 = arith.constant dense<0.000000e+00> : vector<2000x128xf32>
    %dot_general3A_34 = tpu.matmul %div3A_22, %get3A_32, %dot_general3A_33 {dimension_numbers = #tpu.dot_dimension_numbers<[1], [0], [0], [1], [0, 0, 1, 1], [], []>, transpose_lhs_hint = false} : vector<2000x128xf32>, vector<128x128xf32>, vector<2000x128xf32> -> vector<2000x128xf32>
    %add3A_35 = arith.addf %dot_general3A_29, %dot_general3A_34 : vector<2000x128xf32>
    %get3A_36 = arith.constant 0 : index
    %get3A_37 = arith.constant 0 : index
    %get3A_38 = vector.load %arg4[%get3A_36, %get3A_37] : memref<1x128xf32, #tpu.memory_space<vmem>>, vector<1x128xf32>
    %add3A_39 = vector.broadcast %get3A_38 : vector<1x128xf32> to vector<2000x128xf32>
    %add3A_40 = arith.addf %add3A_35, %add3A_39 : vector<2000x128xf32>
    %swap3A = arith.constant 0 : index
    %swap3A_41 = arith.constant 0 : index
    %swap3A_42 = vector.load %arg9[%swap3A, %swap3A_41] : memref<2000x128xf32, #tpu.memory_space<vmem>>, vector<2000x128xf32>
    tpu.vector_store %arg9[%swap3A, %swap3A_41], %add3A_40 {strides = array<i32>} : memref<2000x128xf32, #tpu.memory_space<vmem>>, vector<2000x128xf32>,
    return
  }
  func.func @transform_0(%arg0: i32) -> (i32, i32) {
    %c0_i32 = arith.constant 0 : i32
    %c0_i32_0 = arith.constant 0 : i32
    return %arg0, %c0_i32 : i32, i32
  }
  func.func @transform_1(%arg0: i32) -> (i32, i32) {
    %c0_i32 = arith.constant 0 : i32
    %c0_i32_0 = arith.constant 0 : i32
    %c0_i32_1 = arith.constant 0 : i32
    return %c0_i32, %c0_i32_0 : i32, i32
  }
  func.func @transform_2(%arg0: i32) -> (i32, i32) {
    %c0_i32 = arith.constant 0 : i32
    %c0_i32_0 = arith.constant 0 : i32
    %c0_i32_1 = arith.constant 0 : i32
    return %c0_i32, %c0_i32_0 : i32, i32
  }
  func.func @transform_3(%arg0: i32) -> (i32, i32) {
    %c0_i32 = arith.constant 0 : i32
    %c0_i32_0 = arith.constant 0 : i32
    %c0_i32_1 = arith.constant 0 : i32
    return %c0_i32, %c0_i32_0 : i32, i32
  }
  func.func @transform_4(%arg0: i32) -> (i32, i32, i32) {
    %c0_i32 = arith.constant 0 : i32
    %c0_i32_0 = arith.constant 0 : i32
    %c0_i32_1 = arith.constant 0 : i32
    return %c0_i32, %arg0, %c0_i32_0 : i32, i32, i32
  }
  func.func @transform_5(%arg0: i32) -> (i32, i32, i32) {
    %c1_i32 = arith.constant 1 : i32
    %c0_i32 = arith.constant 0 : i32
    %c0_i32_0 = arith.constant 0 : i32
    return %c1_i32, %arg0, %c0_i32 : i32, i32, i32
  }
  func.func @transform_6(%arg0: i32) -> (i32, i32, i32) {
    %c0_i32 = arith.constant 0 : i32
    %c0_i32_0 = arith.constant 0 : i32
    %c0_i32_1 = arith.constant 0 : i32
    return %c0_i32, %arg0, %c0_i32_0 : i32, i32, i32
  }
  func.func @transform_7(%arg0: i32) -> (i32, i32, i32) {
    %c1_i32 = arith.constant 1 : i32
    %c0_i32 = arith.constant 0 : i32
    %c0_i32_0 = arith.constant 0 : i32
    return %c1_i32, %arg0, %c0_i32 : i32, i32, i32
  }
  func.func @transform_8(%arg0: i32) -> (i32, i32) {
    %c0_i32 = arith.constant 0 : i32
    %c0_i32_0 = arith.constant 0 : i32
    return %arg0, %c0_i32 : i32, i32
  }
}

</mosaic_0001>

<sc_bundles>
// kernel: kernel.4.cloned.1.call-start
scs
__scs_entry_jumppad:
0x0: {  	(pc) =	sbr.rel $0x88, $3  }
0x1: {  	(tag) =	ssettag $0x0;
	lr =	simm.s32 $0x1  }
0x2: {  	[smem:$0x3F9C] =	sst lr;
	_ =	strace $0xD0000000  }
0x3: {  	_ = 	snop  }
0x4: {  	_ = 	snop  }
0x5: {  	_ = 	snop  }
0x6: {  	_ = 	snop  }
0x7: {  	_ = 	snop  }
__scs_overlays_trampoline_lowered:
0x8: {  	[smem:$0x3FAB] =	sst s0  }
0x9: {  	[smem:$0x3FAC] =	sst s1  }
0xa: {  	[smem:$0x3FAD] =	sst s2  }
0xb: {  	[smem:$0x3FAE] =	sst s3  }
0xc: {  	[smem:$0x3FAF] =	sst s4  }
0xd: {  	[smem:$0x3FB0] =	sst s5  }
0xe: {  	[smem:$0x3FB1] =	sst s6  }
0xf: {  	[smem:$0x3FB2] =	sst s7  }
0x10: {  	[smem:$0x3FB3] =	sst s8  }
0x11: {  	[smem:$0x3FB4] =	sst s9;
	s0 =	simm.s32 @!p0 $0x0  }
0x12: {  	s1 =	sld [smem:$0x3F9A];
	s0 =	simm.s32 @p0 $0x1  }
0x13: {  	[smem:$0x3FB5] =	sst s0;
	s0 =	simm.s32 @!p1 $0x0  }
0x14: {  	s2 =	sld [smem:$0x3F99];
	s0 =	simm.s32 @p1 $0x1  }
0x15: {  	[smem:$0x3FB6] =	sst s0;
	s0 =	simm.s32 @!p2 $0x0  }
0x16: {  	s3 =	sld [smem:$0x3FDB];
	s0 =	simm.s32 @p2 $0x1  }
0x17: {  	s4 =	simm.s32 $0x1BF5;
	[smem:$0x3FB8] =	sst s0  }
0x18: {  	s0 =	sld [smem:$0x3F9B];
	_ =	swait.ge [sflag:s4], $0x0  }
0x19: {  	s7 =	sld [smem:$0x3F9C]  }
0x1a: {  	s8 =	sadd.s32 $0xFFFFE003, lr  }
0x1b: {  	s9 =	sadd.s32 $0xFFFFFEF7, lr;
	s5 =	simm.s32 $0xFFFFFFFF;
	p2 =	slt.u32 s8, $0xFFFFF086  }
0x1c: {  	p1 =	slt.u32 s9, $0xF7A;
	s5 =	simm.s32 @!p2 $0x0  }
0x1d: {  	s5 =	simm.s32 @p1 $0x1;
	p0 =	seq.s32 s7, s2  }
0x1e: {  	s7 =	smul.u32 @!p0 $0xF7A, s2;
	p2 =	seq.s32 @!p0 s5, $0x0  }
0x1f: {  	s9 =	smul.u32 $0xF7A, s1;
	s8 =	simm.s32 @!p0 $0x1BF5;
	p2 =	por !p2, p0  }
0x20: {  	[sflag:s8] =	ssyncset.s32 @!p0 $0xFFFFF086;
	s6 =	sadd.s32 @!p0 s3, s7;
	s7 =	simm.s32 @!p0 $0x108  }
0x21: {  	s3 =	sadd.s32 s3, s9;
	s6 =	sadd.s32 @!p0 $0x88, s6;
	s7 =	simm.s32 @p2 $0x1082  }
0x22: {  	[simem:s7], [sflag:s8] =	dma.local @!p0 [hbm:s6], $0xF7A  }
0x23: {  	s9 =	sor.u32 $0xD0000000, s2;
	s6 =	simm.s32 $0x108;
	_ =	swait.ge @!p0 [sflag:s8], $0x0  }
0x24: {  	s3 =	sadd.s32 $0x88, s3;
	s6 =	simm.s32 @!p1 $0x1082;
	[sflag:s4] =	ssyncset.s32 $0xFFFFF086  }
0x25: {  	[simem:s6], [sflag:s4] =	dma.local [hbm:s3], $0xF7A  }
0x26: {  	[smem:$0x3F9C] =	sst s1;
	(tag) =	ssettag s2;
	_ =	strace s9  }
0x27: {  	s1 =	sld [smem:$0x3FAC]  }
0x28: {  	s2 =	sld [smem:$0x3FAD]  }
0x29: {  	s4 =	sld [smem:$0x3FAF]  }
0x2a: {  	p0 =	seq.s32 s5, $0x0;
	s5 =	sld [smem:$0x3FB0]  }
0x2b: {  	s6 =	sld [smem:$0x3FB1]  }
0x2c: {  	s7 =	sld [smem:$0x3FB2]  }
0x2d: {  	s3 =	simm.s32 $0x108;
	s8 =	sld [smem:$0x3FB3]  }
0x2e: {  	s3 =	simm.s32 @!p0 $0x1082;
	s9 =	sld [smem:$0x3FB4]  }
0x2f: {  	lr =	sadd.s32 s0, s3;
	s0 =	sld [smem:$0x3FAB]  }
0x30: {  	s3 =	sld [smem:$0x3FAE]  }
0x31: {  	[smem:$0x3FB7] =	sst s10  }
0x32: {  	s10 =	sld [smem:$0x3FB5];
	_ =	sdelay $0x3  }
0x33: {  	p0 =	seq.s32 s10, $0x1;
	s10 =	sld [smem:$0x3FB7];
	_ =	sdelay $0x3  }
0x34: {  	[smem:$0x3FB7] =	sst s10  }
0x35: {  	s10 =	sld [smem:$0x3FB6];
	_ =	sdelay $0x3  }
0x36: {  	p1 =	seq.s32 s10, $0x1;
	s10 =	sld [smem:$0x3FB7];
	_ =	sdelay $0x3  }
0x37: {  	[smem:$0x3FB7] =	sst s10  }
0x38: {  	s10 =	sld [smem:$0x3FB8]  }
0x39: {  	_ = 	snop;
	(pc) =	sbr.ind lr, $3  }
0x3a: {  	_ = 	snop  }
0x3b: {  	_ = 	snop  }
0x3c: {  	p2 =	seq.s32 s10, $0x1;
	s10 =	sld [smem:$0x3FB7]  }
0x3d: {  	_ =	shalt  }
0x3e: {  	_ =	shalt  }
0x3f: {  	_ =	shalt  }
0x40: {  	_ =	shalt  }
0x41: {  	_ =	shalt  }
0x42: {  	_ =	shalt  }
0x43: {  	_ =	shalt  }
0x44: {  	_ =	shalt  }
0x45: {  	_ =	shalt  }
0x46: {  	_ =	shalt  }
0x47: {  	_ =	shalt  }
0x48: {  	_ =	shalt  }
0x49: {  	_ =	shalt  }
0x4a: {  	_ =	shalt  }
0x4b: {  	_ =	shalt  }
0x4c: {  	_ =	shalt  }
0x4d: {  	_ =	shalt  }
0x4e: {  	_ =	shalt  }
0x4f: {  	_ =	shalt  }
0x50: {  	_ =	shalt  }
0x51: {  	_ =	shalt  }
0x52: {  	_ =	shalt  }
0x53: {  	_ =	shalt  }
0x54: {  	_ =	shalt  }
0x55: {  	_ =	shalt  }
0x56: {  	_ =	shalt  }
0x57: {  	_ =	shalt  }
0x58: {  	_ =	shalt  }
0x59: {  	_ =	shalt  }
0x5a: {  	_ =	shalt  }
0x5b: {  	_ =	shalt  }
0x5c: {  	_ =	shalt  }
0x5d: {  	_ =	shalt  }
0x5e: {  	_ =	shalt  }
0x5f: {  	_ =	shalt  }
0x60: {  	_ =	shalt  }
0x61: {  	_ =	shalt  }
0x62: {  	_ =	shalt  }
0x63: {  	_ =	shalt  }
0x64: {  	_ =	shalt  }
0x65: {  	_ =	shalt  }
0x66: {  	_ =	shalt  }
0x67: {  	_ =	shalt  }
0x68: {  	_ =	shalt  }
0x69: {  	_ =	shalt  }
0x6a: {  	_ =	shalt  }
0x6b: {  	_ =	shalt  }
0x6c: {  	_ =	shalt  }
0x6d: {  	_ =	shalt  }
0x6e: {  	_ =	shalt  }
0x6f: {  	_ =	shalt  }
0x70: {  	_ =	shalt  }
0x71: {  	_ =	shalt  }
0x72: {  	_ =	shalt  }
0x73: {  	_ =	shalt  }
0x74: {  	_ =	shalt  }
0x75: {  	_ =	shalt  }
0x76: {  	_ =	shalt  }
0x77: {  	_ =	shalt  }
0x78: {  	_ =	shalt  }
0x79: {  	_ =	shalt  }
0x7a: {  	_ =	shalt  }
0x7b: {  	_ =	shalt  }
0x7c: {  	_ =	shalt  }
0x7d: {  	_ =	shalt  }
0x7e: {  	_ =	shalt  }
0x7f: {  	_ =	shalt  }
0x80: {  	_ =	shalt  }
0x81: {  	_ =	shalt  }
0x82: {  	_ =	shalt  }
0x83: {  	_ =	shalt  }
0x84: {  	_ =	shalt  }
0x85: {  	_ =	shalt  }
0x86: {  	_ =	shalt  }
0x87: {  	_ =	shalt  }
.Lfunc_end0:
.L_simem_size_0:
called_computation_lowered:
.L_overlay_start_0:
0x88: {  	s2 =	sld [smem:$0x3FD9]  }
0x89: {  	s3 =	sld [smem:$0x3FFE];
	_ =	sdelay $0x1  }
0x8a: {  	s1 =	srdreg.scid  }
0x8b: {  	s0 =	sand.u32 $0x1, s1  }
0x8c: {  	s17 =	sshll.u32 s0, $0xA;
	s2 =	sadd.s32 s3, s2  }
0x8d: {  	s2 =	sadd.s32 s2, s17  }
0x8e: {  	[smem:$0x3FC3] =	sst s2  }
0x8f: {  	_ = 	snop  }
0x90: {  	s2 =	sld [smem:$0x3FC9]  }
0x91: {  	s18 =	sld [smem:$0x3FD0];
	(tm) =	ssettm $0x1  }
0x92: {  	s4 =	sld [smem:$0x3FFB];
	_ =	sdelay $0x3  }
0x93: {  	_ =	strace s4  }
0x94: {  	s4 =	sld [smem:$0x3FFC];
	_ =	sdelay $0x3  }
0x95: {  	_ =	strace s4  }
0x96: {  	s4 =	sld [smem:$0x3FFD];
	_ =	sdelay $0x3  }
0x97: {  	_ =	strace s4  }
0x98: {  	_ =	strace $0x8FFFFFFF  }
0x99: {  	s19 =	sld [smem:$0x3FDB];
	_ =	sdelay $0x1  }
0x9a: {  	s5 =	simm.s32 $_scs_section_size  }
0x9b: {  	s6 =	simm.s32 $_size__tile_overlayer_lowered;
	s7 =	simm.s32 $_tile_overlayer_lowered  }
0x9c: {  	s22 =	simm.s32 $0x1BFF;
	s21 =	sshll.u32 s7, $0x1;
	s4 =	sadd.s32 s5, s19  }
0x9d: {  	s8 =	simm.s32 $0x0;
	s20 =	sshll.u32 s6, $0x1;
	s6 =	sadd.s32 s21, s4  }
0x9e: {  	[timem:s8], [sflag:s22] =	dma.local [hbm:s6], s20  }
0x9f: {  	_ =	swait.ge [sflag:s22], s20  }
0xa0: {  	s5 =	ssub.s32 $0x0, s20;
	[sflag:s22] =	ssyncset.done $0x0  }
0xa1: {  	[sflag:s22] =	ssyncadd.s32 s5;
	_ =	sdelay $0x1  }
0xa2: {  	s23 =	simm.s32 $0x1B8B  }
0xa3: {  	_ =	swait.ge [sflag:s23], $0x1  }
0xa4: {  	[sflag:s23] =	ssyncset.done $0x0  }
0xa5: {  	s25 =	simm.s32 $0x1B8E;
	s24 =	sld [smem:$0x3FFE];
	[sflag:s23] =	ssyncadd.s32 $0xFFFFFFFF  }
0xa6: {  	s26 =	simm.s32 $execute0_lowered;
	[smem:$0x3FD2] =	sst s25  }
0xa7: {  	s6 =	sshll.u32 s26, $0x1;
	_ =	strace $0x80000046;
	[dreg:$0x1] =	wrdreg $0xFFFFFFFF  }
0xa8: {  	s28 =	simm.s32 $_size_execute0_lowered;
	s4 =	sadd.s32 s4, s6;
	[dreg:$0x0] =	wrdreg $0x0  }
0xa9: {  	s6 =	sshll.u32 s28, $0x1;
	[dreg:$0x2] =	wrdreg s4  }
0xaa: {  	[dreg:$0x3] =	wrdreg s6  }
0xab: {  	[dreg:$0x4] =	wrdreg $0xC0  }
0xac: {  	_ =	task [dreg:s8], $0x5FFFF  }
0xad: {  	[dreg:$0x1] =	wrdreg $0xFFFFFFFF  }
0xae: {  	[dreg:$0x0] =	wrdreg $0x60  }
0xaf: {  	[dreg:$0x2] =	wrdreg s2  }
0xb0: {  	[dreg:$0x3] =	wrdreg s18  }
0xb1: {  	[dreg:$0x4] =	wrdreg s24  }
0xb2: {  	[dreg:$0x5] =	wrdreg $0x94800  }
0xb3: {  	[dreg:$0x6] =	wrdreg $0x1D0800  }
0xb4: {  	[dreg:$0x7] =	wrdreg $0x9  }
0xb5: {  	_ =	task.clear_ibuf [dreg:s8], $0x8FFFF;
	_ =	strace $0x90000046  }
0xb6: {  	s29 =	simm.s32 $0x9;
	_ =	strace $0x80000048  }
0xb7: {  	_ =	swait.ge [sflag:s29], $0x1  }
0xb8: {  	[sflag:s29] =	ssyncadd.s32 $0xFFFFFFFF  }
0xb9: {  	_ =	strace $0x90000048  }
0xba: {  	_ =	sfence  }
0xbb: {  	s30 =	sld [smem:$0x0];
	_ =	sdelay $0x2  }
0xbc: {  	s31 =	sshll.u32 s1, $0xD;
	s1 =	sshrl.u32 s1, $0x2  }
0xbd: {  	s3 =	sand.u32 $0x4000, s31;
	s1 =	sadd.s32 s1, s30  }
0xbe: {  	s0 =	sor.u32 s3, s0;
	s1 =	sshll.u32 s1, $0x11  }
0xbf: {  	s0 =	sor.u32 s1, s0  }
0xc0: {  	s0 =	sadd.s32 $0x8F2B, s0  }
0xc1: {  	[sflag:s0] =	ssyncadd.remote.s32 $0x1  }
0xc2: {  	_ =	sfence.sel $0xFFFF  }
0xc3: {  	[dreg:$0x0] =	wrdreg $0xFFFFFFFF;
	(pc) =	sbr.abs _section_cstart, $3  }
0xc4: {  	[dreg:$0x1] =	wrdreg $0xFFFFFFFF  }
0xc5: {  	_ =	task.clear_ibuf [dreg:s8], $0x2FFFF;
	_ =	strace $0x9FFFFFFF  }
0xc6: {  	(tm) =	ssettm $0x7FFFFFFF  }
0xc7: {  	_ =	shalt  }
tec
execute0_lowered:
.L_overlay_start_1:
0x0: {  	(tag) =	ssettag $0x1  }
0x1: {  	s1 =	rddreg [dreg:$0x0]  }
0x2: {  	s0 =	srdreg.scid;
	s2 =	rddreg [dreg:$0x1]  }
0x3: {  	s16 =	stileid.u32;
	s7 =	rddreg [dreg:$0x2]  }
0x4: {  	s4 =	rddreg [dreg:$0x3];
	s8 =	smul.u32 $0x13C00, s16  }
0x5: {  	s5 =	rddreg [dreg:$0x4];
	s6 =	simm.s32 $0x0;
	s10 =	smul.u32 $0x2780, s16  }
0x6: {  	s30 =	simm.s32 $0x2A40;
	s0 =	sand.u32 $0x1, s0;
	s14 =	smul.u32 $0x278, s16  }
0x7: {  	s31 =	simm.s32 $0x8E40;
	[smem:$0x7FF] =	sst s6;
	s9 =	smul.u32 $0x13C000, s0  }
0x8: {  	s3 =	sshll.u32 s0, $0x4;
	s11 =	smul.u32 $0x27800, s0;
	_ =	strace $0x80000047  }
0x9: {  	s13 =	ssub.s32 $0x2, s0;
	s0 =	smul.u32 $0x28A00, s0;
	s3 =	sor.u32 s16, s3  }
0xa: {  	s15 =	sshrl.u32 s13, $0x1;
	s26 =	sadd.s32 s8, s4;
	s29 =	sadd.s32 s10, s5  }
0xb: {  	s20 =	sadd.s32 $0xC8, s14;
	s23 =	sadd.s32 $0x12C, s14;
	s3 =	smul.u32 $0x28A0, s3  }
0xc: {  	s9 =	sadd.s32 s8, s9;
	s11 =	sadd.s32 s10, s11;
	s22 =	sshll.u32 s20, $0x7  }
0xd: {  	s25 =	sshll.u32 s20, $0x4;
	s28 =	sshll.u32 s23, $0x7;
	[dreg:$0x6] =	wrdreg s29  }
0xe: {  	s9 =	sshrl.u32 s9, $0x3;
	s11 =	sshrl.u32 s11, $0x3;
	s3 =	sshrl.u32 s3, $0x3  }
0xf: {  	s24 =	sadd.s32 s22, s4;
	s9 =	sadd.s32 s9, s7;
	s12 =	sadd.s32 s3, s7  }
0x10: {  	s7 =	sadd.s32 s11, s7;
	s11 =	ssub.s32 s13, s15;
	s15 =	sadd.s32 $0x64, s14  }
0x11: {  	[dreg:$0x9] =	wrdreg s24;
	s17 =	sshll.u32 s15, $0x7;
	s7 =	sadd.s32 $0xB400, s7  }
0x12: {  	s19 =	sshll.u32 s15, $0x4;
	s18 =	sadd.s32 s17, s4;
	[dreg:$0x16] =	wrdreg s7  }
0x13: {  	s21 =	sadd.s32 s19, s5;
	s17 =	sadd.s32 s25, s5;
	[dreg:$0x7] =	wrdreg s18  }
0x14: {  	s19 =	sshll.u32 s23, $0x4;
	s23 =	smul.u32 $0x28A0, s16;
	[dreg:$0x8] =	wrdreg s21  }
0x15: {  	[dreg:$0xa] =	wrdreg s17;
	s18 =	sadd.s32 s28, s4;
	s20 =	sadd.s32 s19, s5  }
0x16: {  	s21 =	sadd.s32 $0x190, s14;
	s28 =	sadd.s32 $0x1F4, s14;
	[dreg:$0xb] =	wrdreg s18  }
0x17: {  	s14 =	sadd.s32 $0x258, s14;
	[dreg:$0xc] =	wrdreg s20;
	s22 =	sshll.u32 s21, $0x7  }
0x18: {  	s10 =	sshll.u32 s21, $0x4;
	s0 =	sadd.s32 s23, s0;
	s8 =	sshll.u32 s28, $0x7  }
0x19: {  	s15 =	sshll.u32 s14, $0x7;
	s18 =	sshll.u32 s14, $0x4;
	s20 =	sadd.s32 $0x1000, s12  }
0x1a: {  	s23 =	sadd.s32 $0x15200, s9;
	s9 =	simm.s32 $0x28A0;
	s12 =	simm.s32 $0x1  }
0x1b: {  	s14 =	simm.s32 $0x5C40;
	s24 =	sadd.s32 s22, s4;
	[dreg:$0x13] =	wrdreg s20  }
0x1c: {  	s25 =	sadd.s32 s10, s5;
	s13 =	sadd.s32 s8, s4;
	[dreg:$0x15] =	wrdreg s23  }
0x1d: {  	s10 =	sshll.u32 s28, $0x4;
	s17 =	sadd.s32 s15, s4;
	[dreg:$0xd] =	wrdreg s24  }
0x1e: {  	s19 =	sadd.s32 s18, s5;
	s21 =	sadd.s32 $0x270, s0;
	[dreg:$0xe] =	wrdreg s25  }
0x1f: {  	s22 =	sadd.s32 s2, s3;
	s0 =	sadd.s32 $0x1A0, s0;
	[dreg:$0xf] =	wrdreg s13  }
0x20: {  	s15 =	simm.s32 $0x2;
	s18 =	simm.s32 $0x8;
	[dreg:$0x11] =	wrdreg s17  }
0x21: {  	s20 =	simm.s32 $0x6;
	s23 =	simm.s32 $0x7;
	[dreg:$0x12] =	wrdreg s19  }
0x22: {  	s16 =	sadd.s32 s10, s5;
	s24 =	sshrl.u32 s21, $0x3;
	[dreg:$0x19] =	wrdreg s0  }
0x23: {  	s25 =	smax.u32 s11, $0x1;
	[dreg:$0x14] =	wrdreg s22;
	s28 =	sadd.s32 $0x1A, s22  }
0x24: {  	s0 =	simm.s32 $0xA;
	s10 =	simm.s32 $0x64;
	s11 =	simm.s32 $0x2970  }
0x25: {  	s13 =	simm.s32 $0x2908;
	s17 =	simm.s32 $0x5;
	[dreg:$0x10] =	wrdreg s16  }
0x26: {  	s19 =	simm.s32 $0x4;
	s21 =	simm.s32 $0x29D8;
	[dreg:$0x17] =	wrdreg s25  }
0x27: {  	s22 =	simm.s32 $0x0;
	s3 =	sadd.s32 s24, s2;
	[dreg:$0x1a] =	wrdreg s28  }
0x28: {  	v0 =	vimm.f32 $0.0e+00;
	v1 =	vimm.f32 $1.000000000e+00;
	s16 =	simm.s32 $0x3;
	[dreg:$0x18] =	wrdreg s3;
	s3 =	simm.s32 $0x9  }
.LBB2_1:
0x29: {  	s7 =	simm.s32 $0x2A80  }
0x2a: {  	[tilespmem:s7+$0xFFFFFFD0] =	vst v0  }
0x2b: {  	[tilespmem:s7+$0xFFFFFFE0] =	vst v0  }
0x2c: {  	[tilespmem:s7+$0xFFFFFFF0] =	vst v0  }
0x2d: {  	[tilespmem:s7+$0x0] =	vst v0  }
0x2e: {  	[tilespmem:s7+$0x10] =	vst v0  }
0x2f: {  	[tilespmem:s7+$0x20] =	vst v0  }
0x30: {  	[tilespmem:s7+$0x30] =	vst v0  }
0x31: {  	s25 =	simm.s32 $0x0;
	s24 =	simm.s32 $0x40;
	[tilespmem:s7+$0xFFFFFFC0] =	vst v0  }
.LBB2_2:
0x32: {  	p0 =	sne.s32 s24, $0x18C0;
	[tilespmem:s25+$0x8E40] =	vst v0;
	s7 =	sadd.s32 $0x80, s7  }
0x33: {  	[tilespmem:s7+$0xFFFFFFD0] =	vst v0  }
0x34: {  	[tilespmem:s7+$0xFFFFFFE0] =	vst v0  }
0x35: {  	[tilespmem:s7+$0xFFFFFFF0] =	vst v0  }
.Ltmp0:
0x36: {  	[tilespmem:s7+$0x0] =	vst v0;
	(pc) =	sbr.rel @p0 .LBB2_2-.Ltmp0, $4  }
0x37: {  	[tilespmem:s7+$0x10] =	vst v0  }
0x38: {  	[tilespmem:s7+$0x20] =	vst v0  }
0x39: {  	[tilespmem:s7+$0x30] =	vst v0  }
0x3a: {  	s25 =	sshra.s32 s24, $0x2;
	s24 =	sadd.s32 $0x40, s24;
	[tilespmem:s7+$0xFFFFFFC0] =	vst v0  }
0x3b: {  	[tilespmem:s25+$0x8E40] =	vst v0  }
0x3c: {  	[spmem:s26] =	stream.linear.scatter [tilespmem:s30], [sflag:$0x9], $0x3200, $0x38;
	[tilespmem:$0x1F800] =	vst v63  }
0x3d: {  	_ = 	snop  }
0x3e: {  	[spmem:s29] =	stream.linear.scatter [tilespmem:s31], [sflag:$0x9], $0x640, $0x38;
	[tilespmem:$0x1F800] =	vst v63  }
0x3f: {  	s7 =	rddreg [dreg:$0x7]  }
0x40: {  	[spmem:s7] =	stream.linear.scatter [tilespmem:s30], [sflag:$0x9], $0x3200, $0x38;
	[tilespmem:$0x1F800] =	vst v63  }
0x41: {  	s29 =	rddreg [dreg:$0x8]  }
0x42: {  	[spmem:s29] =	stream.linear.scatter [tilespmem:s31], [sflag:$0x9], $0x640, $0x38;
	[tilespmem:$0x1F800] =	vst v63  }
0x43: {  	s8 =	rddreg [dreg:$0x9]  }
0x44: {  	[spmem:s8] =	stream.linear.scatter [tilespmem:s30], [sflag:$0x9], $0x3200, $0x38;
	[tilespmem:$0x1F800] =	vst v63  }
0x45: {  	s24 =	rddreg [dreg:$0xa]  }
0x46: {  	[spmem:s24] =	stream.linear.scatter [tilespmem:s31], [sflag:$0x9], $0x640, $0x38;
	[tilespmem:$0x1F800] =	vst v63  }
0x47: {  	s25 =	rddreg [dreg:$0xb]  }
0x48: {  	[spmem:s25] =	stream.linear.scatter [tilespmem:s30], [sflag:$0x9], $0x3200, $0x38;
	[tilespmem:$0x1F800] =	vst v63  }
0x49: {  	s28 =	smov.u32 s26;
	s26 =	rddreg [dreg:$0xc]  }
0x4a: {  	[spmem:s26] =	stream.linear.scatter [tilespmem:s31], [sflag:$0x9], $0x640, $0x38;
	[tilespmem:$0x1F800] =	vst v63  }
0x4b: {  	s29 =	rddreg [dreg:$0xd]  }
0x4c: {  	[spmem:s29] =	stream.linear.scatter [tilespmem:s30], [sflag:$0x9], $0x3200, $0x38;
	[tilespmem:$0x1F800] =	vst v63  }
0x4d: {  	s8 =	rddreg [dreg:$0xe]  }
0x4e: {  	[spmem:s8] =	stream.linear.scatter [tilespmem:s31], [sflag:$0x9], $0x640, $0x38;
	[tilespmem:$0x1F800] =	vst v63  }
0x4f: {  	s24 =	rddreg [dreg:$0xf]  }
0x50: {  	[spmem:s24] =	stream.linear.scatter [tilespmem:s30], [sflag:$0x9], $0x3200, $0x38;
	[tilespmem:$0x1F800] =	vst v63  }
0x51: {  	s25 =	rddreg [dreg:$0x10]  }
0x52: {  	[spmem:s25] =	stream.linear.scatter [tilespmem:s31], [sflag:$0x9], $0x640, $0x38;
	[tilespmem:$0x1F800] =	vst v63  }
0x53: {  	s26 =	rddreg [dreg:$0x11]  }
0x54: {  	[spmem:s26] =	stream.linear.scatter [tilespmem:s30], [sflag:$0x9], $0x1000, $0x38;
	[tilespmem:$0x1F800] =	vst v63  }
0x55: {  	s29 =	rddreg [dreg:$0x12]  }
0x56: {  	[spmem:s29] =	stream.linear.scatter [tilespmem:s31], [sflag:$0x9], $0x200, $0x38;
	[tilespmem:$0x1F800] =	vst v63  }
0x57: {  	_ =	swait.ge [sflag:s3], $0x3200  }
0x58: {  	[sflag:s3] =	ssyncset.done $0x0  }
0x59: {  	[sflag:s3] =	ssyncadd.s32 $0xFFFFCE00  }
0x5a: {  	_ =	swait.ge [sflag:s3], $0x640  }
0x5b: {  	[sflag:s3] =	ssyncset.done $0x0  }
0x5c: {  	[sflag:s3] =	ssyncadd.s32 $0xFFFFF9C0  }
0x5d: {  	_ =	swait.ge [sflag:s3], $0x3200  }
0x5e: {  	[sflag:s3] =	ssyncset.done $0x0  }
0x5f: {  	[sflag:s3] =	ssyncadd.s32 $0xFFFFCE00  }
0x60: {  	_ =	swait.ge [sflag:s3], $0x640  }
0x61: {  	[sflag:s3] =	ssyncset.done $0x0  }
0x62: {  	[sflag:s3] =	ssyncadd.s32 $0xFFFFF9C0  }
0x63: {  	_ =	swait.ge [sflag:s3], $0x3200  }
0x64: {  	[sflag:s3] =	ssyncset.done $0x0  }
0x65: {  	[sflag:s3] =	ssyncadd.s32 $0xFFFFCE00  }
0x66: {  	_ =	swait.ge [sflag:s3], $0x640  }
0x67: {  	[sflag:s3] =	ssyncset.done $0x0  }
0x68: {  	[sflag:s3] =	ssyncadd.s32 $0xFFFFF9C0  }
0x69: {  	_ =	swait.ge [sflag:s3], $0x3200  }
0x6a: {  	[sflag:s3] =	ssyncset.done $0x0  }
0x6b: {  	[sflag:s3] =	ssyncadd.s32 $0xFFFFCE00  }
0x6c: {  	_ =	swait.ge [sflag:s3], $0x640  }
0x6d: {  	[sflag:s3] =	ssyncset.done $0x0  }
0x6e: {  	[sflag:s3] =	ssyncadd.s32 $0xFFFFF9C0  }
0x6f: {  	_ =	swait.ge [sflag:s3], $0x3200  }
0x70: {  	[sflag:s3] =	ssyncset.done $0x0  }
0x71: {  	[sflag:s3] =	ssyncadd.s32 $0xFFFFCE00  }
0x72: {  	_ =	swait.ge [sflag:s3], $0x640  }
0x73: {  	[sflag:s3] =	ssyncset.done $0x0  }
0x74: {  	[sflag:s3] =	ssyncadd.s32 $0xFFFFF9C0  }
0x75: {  	_ =	swait.ge [sflag:s3], $0x3200  }
0x76: {  	[sflag:s3] =	ssyncset.done $0x0  }
0x77: {  	[sflag:s3] =	ssyncadd.s32 $0xFFFFCE00  }
0x78: {  	_ =	swait.ge [sflag:s3], $0x640  }
0x79: {  	[sflag:s3] =	ssyncset.done $0x0  }
0x7a: {  	[sflag:s3] =	ssyncadd.s32 $0xFFFFF9C0  }
0x7b: {  	_ =	swait.ge [sflag:s3], $0x1000  }
0x7c: {  	[sflag:s3] =	ssyncset.done $0x0  }
0x7d: {  	[sflag:s3] =	ssyncadd.s32 $0xFFFFF000  }
0x7e: {  	_ =	swait.ge [sflag:s3], $0x200  }
0x7f: {  	[sflag:s3] =	ssyncset.done $0x0  }
0x80: {  	s7 =	simm.s32 $0x40;
	s24 =	simm.s32 $0x0;
	[sflag:s3] =	ssyncadd.s32 $0xFFFFFE00  }
.LBB2_4:
0x81: {  	p0 =	sne.s32 s7, $0x18C0;
	[tilespmem:s24+$0x8E40] =	vst v1;
	s24 =	smov.u32 s7;
	s7 =	sadd.s32 $0x40, s7  }
.Ltmp1:
0x82: {  	(pc) =	sbr.rel @p0 .LBB2_4-.Ltmp1, $2  }
0x83: {  	_ =	sdelay $0x2  }
0x84: {  	s24 =	sshra.s32 s24, $0x2  }
0x85: {  	[tilespmem:s24+$0x8E40] =	vst v1;
	s7 =	simm.s32 $0x0;
	s8 =	rddreg [dreg:$0x13]  }
0x86: {  	[tilespmem:s7], [sflag:$0xA] =	stream.linear.gather [hbm4b:s8+s7], $0x28A0, $0x38;
	[tilespmem:$0x1F800] =	vst v63  }
0x87: {  	_ =	swait.ge [sflag:s0], $0x28A0  }
0x88: {  	[sflag:s0] =	ssyncset.done $0x0  }
0x89: {  	s26 =	rddreg [dreg:$0x14];
	[sflag:s0] =	ssyncadd.s32 $0xFFFFD760  }
0x8a: {  	[tilespmem:s9], [sflag:$0xA] =	stream.linear.gather [hbm4b:s26+s7], $0xD0, $0x38;
	[tilespmem:$0x1F800] =	vst v63  }
0x8b: {  	_ =	swait.ge [sflag:s0], $0xD0  }
0x8c: {  	[sflag:s0] =	ssyncset.done $0x0  }
0x8d: {  	[sflag:s0] =	ssyncadd.s32 $0xFFFFFF30  }
0x8e: {  	[bflag:$0x0] =	sbarrier.arrive $0xFFFF  }
0x8f: {  	[tilespmem:s30], [sflag:$0x1] =	stream.indirect.gather [hbm4b:s1+s10], $0x80, s9, s10, $0xb8;
	[tilespmem:$0x1F800] =	vst v63  }
0x90: {  	s24 =	rddreg [dreg:$0x1a]  }
0x91: {  	[tilespmem:s11], [sflag:$0x8] =	stream.linear.gather [hbm4b:s24+s7], $0xD0, $0x38;
	[tilespmem:$0x1F800] =	vst v63  }
0x92: {  	_ =	swait.ge [sflag:s12], $0x3200  }
0x93: {  	[sflag:s12] =	ssyncset.done $0x0  }
0x94: {  	[sflag:s12] =	ssyncadd.s32 $0xFFFFCE00  }
0x95: {  	[tilespmem:s14], [sflag:$0x2] =	stream.indirect.gather [hbm4b:s1+s10], $0x80, s13, s10, $0xb8;
	[tilespmem:$0x1F800] =	vst v63  }
0x96: {  	_ = 	snop  }
0x97: {  	[spmem:s4] =	stream.indirect.scatter.add.f32 [tilespmem:s30], [sflag:$0x3], $0x80, s7, s10, $0xb8;
	[tilespmem:$0x1F800] =	vst v63  }
0x98: {  	_ = 	snop  }
0x99: {  	[spmem:s5] =	stream.indirect.scatter.add.f32 [tilespmem:s31], [sflag:$0x5], $0x10, s7, s10, $0xb8;
	[tilespmem:$0x1F800] =	vst v63  }
0x9a: {  	_ =	swait.ge [sflag:s15], $0x3200  }
0x9b: {  	[sflag:s15] =	ssyncset.done $0x0  }
0x9c: {  	[sflag:s15] =	ssyncadd.s32 $0xFFFFCE00  }
0x9d: {  	_ =	swait.ge [sflag:s16], $0x3200  }
0x9e: {  	[sflag:s16] =	ssyncset.done $0x0  }
0x9f: {  	[sflag:s16] =	ssyncadd.s32 $0xFFFFCE00  }
0xa0: {  	_ =	swait.ge [sflag:s17], $0x640  }
0xa1: {  	[sflag:s17] =	ssyncset.done $0x0  }
0xa2: {  	[sflag:s17] =	ssyncadd.s32 $0xFFFFF9C0  }
0xa3: {  	_ =	swait.ge [sflag:s18], $0xD0  }
0xa4: {  	[sflag:s18] =	ssyncset.done $0x0  }
0xa5: {  	[sflag:s18] =	ssyncadd.s32 $0xFFFFFF30  }
0xa6: {  	[tilespmem:s30], [sflag:$0x1] =	stream.indirect.gather [hbm4b:s1+s10], $0x80, s11, s10, $0xb8;
	[tilespmem:$0x1F800] =	vst v63  }
0xa7: {  	s25 =	simm.s32 $0x68;
	s26 =	rddreg [dreg:$0x19]  }
0xa8: {  	[spmem:s4] =	stream.indirect.scatter.add.f32 [tilespmem:s14], [sflag:$0x4], $0x80, s25, s10, $0xb8;
	[tilespmem:$0x1F800] =	vst v63  }
0xa9: {  	s8 =	sshrl.u32 s26, $0x3  }
0xaa: {  	[spmem:s5] =	stream.indirect.scatter.add.f32 [tilespmem:s31], [sflag:$0x6], $0x10, s25, s10, $0xb8;
	[tilespmem:$0x1F800] =	vst v63  }
0xab: {  	s25 =	sadd.s32 s2, s8  }
0xac: {  	[tilespmem:s9], [sflag:$0x7] =	stream.linear.gather [hbm4b:s25+s6], $0xD0, $0x38;
	[tilespmem:$0x1F800] =	vst v63  }
0xad: {  	_ =	swait.ge [sflag:s12], $0x3200  }
0xae: {  	[sflag:s12] =	ssyncset.done $0x0  }
0xaf: {  	[sflag:s12] =	ssyncadd.s32 $0xFFFFCE00  }
0xb0: {  	_ =	swait.ge [sflag:s19], $0x3200  }
0xb1: {  	[sflag:s19] =	ssyncset.done $0x0  }
0xb2: {  	[sflag:s19] =	ssyncadd.s32 $0xFFFFCE00  }
0xb3: {  	_ =	swait.ge [sflag:s20], $0x640  }
0xb4: {  	[sflag:s20] =	ssyncset.done $0x0  }
0xb5: {  	[sflag:s20] =	ssyncadd.s32 $0xFFFFF9C0  }
0xb6: {  	[tilespmem:s14], [sflag:$0x2] =	stream.indirect.gather [hbm4b:s1+s10], $0x80, s21, s10, $0xb8;
	[tilespmem:$0x1F800] =	vst v63  }
0xb7: {  	s8 =	simm.s32 $0xD0  }
0xb8: {  	[spmem:s4] =	stream.indirect.scatter.add.f32 [tilespmem:s30], [sflag:$0x3], $0x80, s8, s10, $0xb8;
	[tilespmem:$0x1F800] =	vst v63  }
0xb9: {  	_ = 	snop  }
0xba: {  	[spmem:s5] =	stream.indirect.scatter.add.f32 [tilespmem:s31], [sflag:$0x5], $0x10, s8, s10, $0xb8;
	[tilespmem:$0x1F800] =	vst v63  }
0xbb: {  	_ =	swait.ge [sflag:s15], $0x3200  }
0xbc: {  	[sflag:s15] =	ssyncset.done $0x0  }
0xbd: {  	[sflag:s15] =	ssyncadd.s32 $0xFFFFCE00  }
0xbe: {  	_ =	swait.ge [sflag:s16], $0x3200  }
0xbf: {  	[sflag:s16] =	ssyncset.done $0x0  }
0xc0: {  	[sflag:s16] =	ssyncadd.s32 $0xFFFFCE00  }
0xc1: {  	_ =	swait.ge [sflag:s17], $0x640  }
0xc2: {  	[sflag:s17] =	ssyncset.done $0x0  }
0xc3: {  	[sflag:s17] =	ssyncadd.s32 $0xFFFFF9C0  }
0xc4: {  	_ =	swait.ge [sflag:s23], $0xD0  }
0xc5: {  	[sflag:s23] =	ssyncset.done $0x0  }
0xc6: {  	[sflag:s23] =	ssyncadd.s32 $0xFFFFFF30  }
0xc7: {  	[tilespmem:s30], [sflag:$0x1] =	stream.indirect.gather [hbm4b:s1+s10], $0x80, s9, s10, $0xb8;
	[tilespmem:$0x1F800] =	vst v63  }
0xc8: {  	s24 =	simm.s32 $0x138  }
0xc9: {  	[spmem:s4] =	stream.indirect.scatter.add.f32 [tilespmem:s14], [sflag:$0x4], $0x80, s24, s10, $0xb8;
	[tilespmem:$0x1F800] =	vst v63  }
0xca: {  	_ = 	snop  }
0xcb: {  	[spmem:s5] =	stream.indirect.scatter.add.f32 [tilespmem:s31], [sflag:$0x6], $0x10, s24, s10, $0xb8;
	[tilespmem:$0x1F800] =	vst v63  }
0xcc: {  	s25 =	rddreg [dreg:$0x18]  }
0xcd: {  	[tilespmem:s11], [sflag:$0x8] =	stream.linear.gather [hbm4b:s25+s6], $0xD0, $0x38;
	[tilespmem:$0x1F800] =	vst v63  }
0xce: {  	_ =	swait.ge [sflag:s12], $0x3200  }
0xcf: {  	[sflag:s12] =	ssyncset.done $0x0  }
0xd0: {  	[sflag:s12] =	ssyncadd.s32 $0xFFFFCE00  }
0xd1: {  	_ =	swait.ge [sflag:s19], $0x3200  }
0xd2: {  	[sflag:s19] =	ssyncset.done $0x0  }
0xd3: {  	[sflag:s19] =	ssyncadd.s32 $0xFFFFCE00  }
0xd4: {  	_ =	swait.ge [sflag:s20], $0x640  }
0xd5: {  	[sflag:s20] =	ssyncset.done $0x0  }
0xd6: {  	s7 =	simm.s32 $0x1A0;
	[sflag:s20] =	ssyncadd.s32 $0xFFFFF9C0  }
0xd7: {  	[tilespmem:s14], [sflag:$0x2] =	stream.indirect.gather [hbm4b:s1+s10], $0x80, s13, s10, $0xb8;
	[tilespmem:$0x1F800] =	vst v63  }
0xd8: {  	s29 =	sadd.s32 $0x1A0, s26;
	s24 =	simm.s32 $0x680;
	s25 =	sadd.s32 $0x34, s25  }
0xd9: {  	[spmem:s4] =	stream.indirect.scatter.add.f32 [tilespmem:s30], [sflag:$0x3], $0x80, s7, s10, $0xb8;
	[tilespmem:$0x1F800] =	vst v63  }
.LBB2_6:
0xda: {  	[spmem:s5] =	stream.indirect.scatter.add.f32 [tilespmem:s31], [sflag:$0x5], $0x10, s7, s10, $0xb8;
	[tilespmem:$0x1F800] =	vst v63  }
0xdb: {  	s7 =	smov.u32 s24  }
0xdc: {  	p0 =	sne.s32 s24, $0x9580;
	s24 =	sadd.s32 $0x680, s24;
	_ =	swait.ge [sflag:s15], $0x3200  }
0xdd: {  	[sflag:s15] =	ssyncset.done $0x0  }
0xde: {  	[sflag:s15] =	ssyncadd.s32 $0xFFFFCE00  }
0xdf: {  	_ =	swait.ge [sflag:s16], $0x3200  }
0xe0: {  	[sflag:s16] =	ssyncset.done $0x0  }
0xe1: {  	[sflag:s16] =	ssyncadd.s32 $0xFFFFCE00  }
0xe2: {  	_ =	swait.ge [sflag:s17], $0x640  }
0xe3: {  	[sflag:s17] =	ssyncset.done $0x0  }
0xe4: {  	[sflag:s17] =	ssyncadd.s32 $0xFFFFF9C0  }
0xe5: {  	_ =	swait.ge [sflag:s18], $0xD0  }
0xe6: {  	[sflag:s18] =	ssyncset.done $0x0  }
0xe7: {  	s7 =	sshra.s32 s7, $0x2;
	[sflag:s18] =	ssyncadd.s32 $0xFFFFFF30  }
0xe8: {  	[tilespmem:s30], [sflag:$0x1] =	stream.indirect.gather [hbm4b:s1+s10], $0x80, s11, s10, $0xb8;
	[tilespmem:$0x1F800] =	vst v63  }
0xe9: {  	s8 =	sadd.s32 $0x68, s7  }
0xea: {  	[spmem:s4] =	stream.indirect.scatter.add.f32 [tilespmem:s14], [sflag:$0x4], $0x80, s8, s10, $0xb8;
	[tilespmem:$0x1F800] =	vst v63  }
0xeb: {  	s26 =	sshrl.u32 s29, $0x3  }
0xec: {  	[spmem:s5] =	stream.indirect.scatter.add.f32 [tilespmem:s31], [sflag:$0x6], $0x10, s8, s10, $0xb8;
	[tilespmem:$0x1F800] =	vst v63  }
0xed: {  	s8 =	sadd.s32 s2, s26  }
0xee: {  	[tilespmem:s9], [sflag:$0x7] =	stream.linear.gather [hbm4b:s8+s6], $0xD0, $0x38;
	[tilespmem:$0x1F800] =	vst v63  }
0xef: {  	_ =	swait.ge [sflag:s12], $0x3200  }
0xf0: {  	[sflag:s12] =	ssyncset.done $0x0  }
0xf1: {  	[sflag:s12] =	ssyncadd.s32 $0xFFFFCE00  }
0xf2: {  	_ =	swait.ge [sflag:s19], $0x3200  }
0xf3: {  	[sflag:s19] =	ssyncset.done $0x0  }
0xf4: {  	[sflag:s19] =	ssyncadd.s32 $0xFFFFCE00  }
0xf5: {  	_ =	swait.ge [sflag:s20], $0x640  }
0xf6: {  	[sflag:s20] =	ssyncset.done $0x0  }
0xf7: {  	[sflag:s20] =	ssyncadd.s32 $0xFFFFF9C0  }
0xf8: {  	[tilespmem:s14], [sflag:$0x2] =	stream.indirect.gather [hbm4b:s1+s10], $0x80, s21, s10, $0xb8;
	[tilespmem:$0x1F800] =	vst v63  }
0xf9: {  	s8 =	sadd.s32 $0xD0, s7  }
0xfa: {  	[spmem:s4] =	stream.indirect.scatter.add.f32 [tilespmem:s30], [sflag:$0x3], $0x80, s8, s10, $0xb8;
	[tilespmem:$0x1F800] =	vst v63  }
0xfb: {  	_ = 	snop  }
0xfc: {  	[spmem:s5] =	stream.indirect.scatter.add.f32 [tilespmem:s31], [sflag:$0x5], $0x10, s8, s10, $0xb8;
	[tilespmem:$0x1F800] =	vst v63  }
0xfd: {  	_ =	swait.ge [sflag:s15], $0x3200  }
0xfe: {  	[sflag:s15] =	ssyncset.done $0x0  }
0xff: {  	[sflag:s15] =	ssyncadd.s32 $0xFFFFCE00  }
0x100: {  	_ =	swait.ge [sflag:s16], $0x3200  }
0x101: {  	[sflag:s16] =	ssyncset.done $0x0  }
0x102: {  	[sflag:s16] =	ssyncadd.s32 $0xFFFFCE00  }
0x103: {  	_ =	swait.ge [sflag:s17], $0x640  }
0x104: {  	[sflag:s17] =	ssyncset.done $0x0  }
0x105: {  	[sflag:s17] =	ssyncadd.s32 $0xFFFFF9C0  }
0x106: {  	_ =	swait.ge [sflag:s23], $0xD0  }
0x107: {  	[sflag:s23] =	ssyncset.done $0x0  }
0x108: {  	[sflag:s23] =	ssyncadd.s32 $0xFFFFFF30  }
0x109: {  	[tilespmem:s30], [sflag:$0x1] =	stream.indirect.gather [hbm4b:s1+s10], $0x80, s9, s10, $0xb8;
	[tilespmem:$0x1F800] =	vst v63  }
0x10a: {  	s8 =	sadd.s32 $0x138, s7  }
0x10b: {  	[spmem:s4] =	stream.indirect.scatter.add.f32 [tilespmem:s14], [sflag:$0x4], $0x80, s8, s10, $0xb8;
	[tilespmem:$0x1F800] =	vst v63  }
0x10c: {  	_ = 	snop  }
0x10d: {  	[spmem:s5] =	stream.indirect.scatter.add.f32 [tilespmem:s31], [sflag:$0x6], $0x10, s8, s10, $0xb8;
	[tilespmem:$0x1F800] =	vst v63  }
0x10e: {  	_ = 	snop  }
0x10f: {  	[tilespmem:s11], [sflag:$0x8] =	stream.linear.gather [hbm4b:s25+s6], $0xD0, $0x38;
	[tilespmem:$0x1F800] =	vst v63  }
0x110: {  	_ =	swait.ge [sflag:s12], $0x3200  }
0x111: {  	[sflag:s12] =	ssyncset.done $0x0  }
0x112: {  	[sflag:s12] =	ssyncadd.s32 $0xFFFFCE00  }
0x113: {  	_ =	swait.ge [sflag:s19], $0x3200  }
0x114: {  	[sflag:s19] =	ssyncset.done $0x0  }
0x115: {  	[sflag:s19] =	ssyncadd.s32 $0xFFFFCE00  }
0x116: {  	_ =	swait.ge [sflag:s20], $0x640  }
0x117: {  	[sflag:s20] =	ssyncset.done $0x0  }
.Ltmp2:
0x118: {  	[sflag:s20] =	ssyncadd.s32 $0xFFFFF9C0;
	(pc) =	sbr.rel @p0 .LBB2_6-.Ltmp2, $4  }
0x119: {  	[tilespmem:s14], [sflag:$0x2] =	stream.indirect.gather [hbm4b:s1+s10], $0x80, s13, s10, $0xb8;
	[tilespmem:$0x1F800] =	vst v63  }
0x11a: {  	s7 =	sadd.s32 $0x1A0, s7  }
0x11b: {  	[spmem:s4] =	stream.indirect.scatter.add.f32 [tilespmem:s30], [sflag:$0x3], $0x80, s7, s10, $0xb8;
	[tilespmem:$0x1F800] =	vst v63  }
0x11c: {  	s29 =	sadd.s32 $0x1A0, s29;
	s25 =	sadd.s32 $0x34, s25  }
0x11d: {  	[spmem:s5] =	stream.indirect.scatter.add.f32 [tilespmem:s31], [sflag:$0x5], $0x10, s7, s10, $0xb8;
	[tilespmem:$0x1F800] =	vst v63  }
0x11e: {  	_ =	swait.ge [sflag:s15], $0x3200  }
0x11f: {  	[sflag:s15] =	ssyncset.done $0x0  }
0x120: {  	[sflag:s15] =	ssyncadd.s32 $0xFFFFCE00  }
0x121: {  	_ =	swait.ge [sflag:s16], $0x3200  }
0x122: {  	[sflag:s16] =	ssyncset.done $0x0  }
0x123: {  	[sflag:s16] =	ssyncadd.s32 $0xFFFFCE00  }
0x124: {  	_ =	swait.ge [sflag:s17], $0x640  }
0x125: {  	[sflag:s17] =	ssyncset.done $0x0  }
0x126: {  	[sflag:s17] =	ssyncadd.s32 $0xFFFFF9C0  }
0x127: {  	_ =	swait.ge [sflag:s18], $0xD0  }
0x128: {  	[sflag:s18] =	ssyncset.done $0x0  }
0x129: {  	[sflag:s18] =	ssyncadd.s32 $0xFFFFFF30  }
0x12a: {  	[tilespmem:s30], [sflag:$0x1] =	stream.indirect.gather [hbm4b:s1+s10], $0x80, s11, s10, $0xb8;
	[tilespmem:$0x1F800] =	vst v63  }
0x12b: {  	s25 =	simm.s32 $0x2768  }
0x12c: {  	[spmem:s4] =	stream.indirect.scatter.add.f32 [tilespmem:s14], [sflag:$0x4], $0x80, s25, s10, $0xb8;
	[tilespmem:$0x1F800] =	vst v63  }
0x12d: {  	_ = 	snop  }
0x12e: {  	[spmem:s5] =	stream.indirect.scatter.add.f32 [tilespmem:s31], [sflag:$0x6], $0x10, s25, s10, $0xb8;
	[tilespmem:$0x1F800] =	vst v63  }
0x12f: {  	_ =	swait.ge [sflag:s12], $0x3200  }
0x130: {  	[sflag:s12] =	ssyncset.done $0x0  }
0x131: {  	[sflag:s12] =	ssyncadd.s32 $0xFFFFCE00  }
0x132: {  	_ =	swait.ge [sflag:s19], $0x3200  }
0x133: {  	[sflag:s19] =	ssyncset.done $0x0  }
0x134: {  	[sflag:s19] =	ssyncadd.s32 $0xFFFFCE00  }
0x135: {  	_ =	swait.ge [sflag:s20], $0x640  }
0x136: {  	[sflag:s20] =	ssyncset.done $0x0  }
0x137: {  	[sflag:s20] =	ssyncadd.s32 $0xFFFFF9C0  }
0x138: {  	[tilespmem:s14], [sflag:$0x2] =	stream.indirect.gather [hbm4b:s1+s10], $0x80, s21, s10, $0xb8;
	[tilespmem:$0x1F800] =	vst v63  }
0x139: {  	s26 =	simm.s32 $0x27D0  }
0x13a: {  	[spmem:s4] =	stream.indirect.scatter.add.f32 [tilespmem:s30], [sflag:$0x3], $0x80, s26, s10, $0xb8;
	[tilespmem:$0x1F800] =	vst v63  }
0x13b: {  	_ = 	snop  }
0x13c: {  	[spmem:s5] =	stream.indirect.scatter.add.f32 [tilespmem:s31], [sflag:$0x5], $0x10, s26, s10, $0xb8;
	[tilespmem:$0x1F800] =	vst v63  }
0x13d: {  	_ =	swait.ge [sflag:s15], $0x3200  }
0x13e: {  	[sflag:s15] =	ssyncset.done $0x0  }
0x13f: {  	[sflag:s15] =	ssyncadd.s32 $0xFFFFCE00  }
0x140: {  	_ =	swait.ge [sflag:s16], $0x3200  }
0x141: {  	[sflag:s16] =	ssyncset.done $0x0  }
0x142: {  	[sflag:s16] =	ssyncadd.s32 $0xFFFFCE00  }
0x143: {  	_ =	swait.ge [sflag:s17], $0x640  }
0x144: {  	[sflag:s17] =	ssyncset.done $0x0  }
0x145: {  	s8 =	simm.s32 $0x2838;
	[sflag:s17] =	ssyncadd.s32 $0xFFFFF9C0  }
0x146: {  	[spmem:s4] =	stream.indirect.scatter.add.f32 [tilespmem:s14], [sflag:$0x4], $0x80, s8, s10, $0xb8;
	[tilespmem:$0x1F800] =	vst v63  }
0x147: {  	_ = 	snop  }
0x148: {  	[spmem:s5] =	stream.indirect.scatter.add.f32 [tilespmem:s31], [sflag:$0x6], $0x10, s8, s10, $0xb8;
	[tilespmem:$0x1F800] =	vst v63  }
0x149: {  	_ =	swait.ge [sflag:s19], $0x3200  }
0x14a: {  	[sflag:s19] =	ssyncset.done $0x0  }
0x14b: {  	[sflag:s19] =	ssyncadd.s32 $0xFFFFCE00  }
0x14c: {  	_ =	swait.ge [sflag:s20], $0x640  }
0x14d: {  	[sflag:s20] =	ssyncset.done $0x0  }
0x14e: {  	s24 =	stileid.u32;
	[sflag:s20] =	ssyncadd.s32 $0xFFFFF9C0  }
0x14f: {  	s7 =	sshll.u32 s24, $0x6;
	[bflag:$0x0] =	sbarrier.arrive $0xFFFF  }
0x150: {  	s7 =	sor.u32 $0x1C09, s7;
	s8 =	sshrl.u32 s28, $0x3;
	s24 =	rddreg [dreg:$0x15]  }
0x151: {  	[hbm:s24], [sflag:s7] =	dma.local [spmem:s8], $0x2780  }
0x152: {  	s29 =	rddreg [dreg:$0x6]  }
0x153: {  	s24 =	rddreg [dreg:$0x16];
	s25 =	sshrl.u32 s29, $0x3  }
0x154: {  	[hbm:s24], [sflag:s7] =	dma.local [spmem:s25], $0x4F0  }
0x155: {  	_ =	swait.ge [sflag:s3], $0x2780  }
0x156: {  	[sflag:s3] =	ssyncset.done $0x0  }
0x157: {  	[sflag:s3] =	ssyncadd.s32 $0xFFFFD880  }
0x158: {  	_ =	swait.ge [sflag:s3], $0x4F0  }
0x159: {  	s22 =	sadd.s32 $0x1, s22;
	s26 =	smov.u32 s28;
	s28 =	rddreg [dreg:$0x17]  }
0x15a: {  	p0 =	sne.s32 s22, s28  }
.Ltmp3:
0x15b: {  	_ = 	snop;
	(pc) =	sbr.rel @p0 .LBB2_1-.Ltmp3, $3  }
0x15c: {  	_ =	sdelay $0x1  }
0x15d: {  	[sflag:s3] =	ssyncset.done $0x0  }
0x15e: {  	[sflag:s3] =	ssyncadd.s32 $0xFFFFFB10  }
0x15f: {  	_ =	sfence.sel $0x180000  }
0x160: {  	[bflag:$0x0] =	sbarrier.arrive $0xFFFF  }
0x161: {  	_ =	strace $0x90000047  }
0x162: {  	s0 =	stileid.u32;
	[bflag:$0x2] =	sbarrier.arrive $0xFFFF  }
0x163: {  	p0 =	sne.s32 s0, $0x0;
	s0 =	rddreg [dreg:$0x5]  }
0x164: {  	s0 =	sadd.s32 @!p0 $0x100000, s0  }
0x165: {  	[sflag:s0] =	ssyncadd.tile.s32 @!p0 $0x1;
	_ =	shalt  }
.Lfunc_end2:
_tile_overlayer_lowered:
.L_overlay_start_2:
0x166: {  	(tag) =	ssettag $0x2  }
0x167: {  	s0 =	rddreg [dreg:$0x0];
	s2 =	stileid.u32  }
0x168: {  	s1 =	rddreg [dreg:$0x1];
	p0 =	sne.s32 s2, $0x0  }
0x169: {  	s3 =	rddreg [dreg:$0x2];
	[bflag:$0x3] =	sbarrier.arrive $0xFFFF;
	s2 =	simm.s32 @!p0 $0x1C0A  }
0x16a: {  	[timem:s3], [sflag:s2] =	dma.local @!p0 [hbm:s0], s1  }
0x16b: {  	s0 =	simm.s32 @!p0 $0xA  }
0x16c: {  	_ =	swait.ge @!p0 [sflag:s0], s1  }
0x16d: {  	s1 =	ssub.s32 @!p0 $0x0, s1;
	[sflag:s0] =	ssyncset.done @!p0 $0x0  }
0x16e: {  	[sflag:s0] =	ssyncadd.s32 @!p0 s1  }
0x16f: {  	[bflag:$0x3] =	sbarrier.arrive $0xFFFF  }
0x170: {  	_ =	shalt  }

</sc_bundles>
